<compile_context>
chip_gen: v7x
topology: tpu7x:2x2x1
jax: 0.10.2.dev20260603
libtpu: 0.0.44.dev20260713+nightly
codegen_flags: <defaults>
</compile_context>

<pallas_src>
import functools

import numpy as np

import jax
import jax.numpy as jnp
from jax import lax
from jax.experimental import pallas as pl
from jax.experimental.pallas import tpu as pltpu
from jax.experimental.pallas import tpu_sc as plsc

NUM_V = 100000
NUM_F = 200000

NC = 2
NS = 16
NW = NC * NS
L = 16

FT = 6272
FP = NW * FT
DUMMY = NUM_V

VT = 6256
VP = NS * VT


def _sc_body(vt3, ft3, t_out, c_out, s_out,
             s_sh, t_sh, c_sh, cx, cy, cz, sbuf, zbuf, obuf,
             ii, ij, ik, gi, gj, gk, tbuf,
             sem_i, sem_v, sem_z, sem_g, sem_s):
    cid = lax.axis_index("c")
    sid = lax.axis_index("s")
    wid = cid * NS + sid
    vbase = sid * VT

    di0 = pltpu.async_copy(ft3.at[wid * 3 + 0], ii, sem_i)
    di1 = pltpu.async_copy(ft3.at[wid * 3 + 1], ij, sem_i)
    di2 = pltpu.async_copy(ft3.at[wid * 3 + 2], ik, sem_i)
    dv0 = pltpu.async_copy(vt3.at[sid], cx, sem_v)
    dv1 = pltpu.async_copy(vt3.at[NS + sid], cy, sem_v)
    dv2 = pltpu.async_copy(vt3.at[2 * NS + sid], cz, sem_v)

    def o_step(n, _):
        for u in range(4):
            obuf[pl.ds((n * 4 + u) * L, L)] = jnp.ones((L,), jnp.float32)
        return 0

    lax.fori_loop(0, FT // (4 * L), o_step, 0)

    dv0.wait()
    dv1.wait()
    dv2.wait()

    def s_step(n, _):
        for u in range(4):
            sl = pl.ds((n * 4 + u) * L, L)
            sbuf[sl] = cx[sl] + cy[sl] + cz[sl]
            zbuf[sl] = jnp.zeros((L,), jnp.float32)
        return 0

    lax.fori_loop(0, VT // (4 * L), s_step, 0)
    for u in range(VT // (4 * L) * 4, VT // L):
        sl = pl.ds(u * L, L)
        sbuf[sl] = cx[sl] + cy[sl] + cz[sl]
        zbuf[sl] = jnp.zeros((L,), jnp.float32)

    ds_s = pltpu.async_copy(sbuf, s_sh.at[pl.ds(vbase, VT)], sem_v)
    dz1 = pltpu.async_copy(zbuf, t_sh.at[pl.ds(vbase, VT)], sem_z)
    dz2 = pltpu.async_copy(zbuf, c_sh.at[pl.ds(vbase, VT)], sem_z)
    ds_s.wait()
    di0.wait()
    di1.wait()
    di2.wait()
    dz1.wait()
    dz2.wait()
    plsc.subcore_barrier()

    dg0 = pltpu.async_copy(s_sh.at[ii], gi, sem_g)
    dg1 = pltpu.async_copy(s_sh.at[ij], gj, sem_g)
    dg2 = pltpu.async_copy(s_sh.at[ik], gk, sem_g)
    ds3 = pltpu.async_copy(obuf, c_sh.at[ii], sem_s, add=True)
    ds4 = pltpu.async_copy(obuf, c_sh.at[ij], sem_s, add=True)
    ds5 = pltpu.async_copy(obuf, c_sh.at[ik], sem_s, add=True)
    dg0.wait()
    dg1.wait()
    dg2.wait()

    def t_step(n, _):
        for u in range(4):
            sl = pl.ds((n * 4 + u) * L, L)
            tbuf[sl] = gi[sl] + gj[sl] + gk[sl]
        return 0

    lax.fori_loop(0, FT // (4 * L), t_step, 0)

    ds0 = pltpu.async_copy(tbuf, t_sh.at[ii], sem_s, add=True)
    ds1 = pltpu.async_copy(tbuf, t_sh.at[ij], sem_s, add=True)
    ds2 = pltpu.async_copy(tbuf, t_sh.at[ik], sem_s, add=True)
    ds0.wait()
    ds1.wait()
    ds2.wait()
    ds3.wait()
    ds4.wait()
    ds5.wait()
    plsc.subcore_barrier()

    dc0 = pltpu.async_copy(t_sh.at[pl.ds(vbase, VT)], cx, sem_g)
    dc1 = pltpu.async_copy(c_sh.at[pl.ds(vbase, VT)], cy, sem_g)
    dc0.wait()
    do0 = pltpu.async_copy(cx, t_out.at[cid, sid], sem_s)
    dc1.wait()
    do1 = pltpu.async_copy(cy, c_out.at[cid, sid], sem_s)
    do0.wait()
    do1.wait()

    @pl.when(cid == 0)
    def _():
        pltpu.sync_copy(sbuf, s_out.at[sid])


_sc_call = pl.kernel(
    _sc_body,
    out_type=[
        jax.ShapeDtypeStruct((NC, NS, VT), jnp.float32),
        jax.ShapeDtypeStruct((NC, NS, VT), jnp.float32),
        jax.ShapeDtypeStruct((NS, VT), jnp.float32),
    ],
    mesh=plsc.VectorSubcoreMesh(core_axis_name="c", subcore_axis_name="s",
                                num_cores=NC, num_subcores=NS),
    scratch_types=[
        pltpu.VMEM_SHARED((VP,), jnp.float32),
        pltpu.VMEM_SHARED((VP,), jnp.float32),
        pltpu.VMEM_SHARED((VP,), jnp.float32),
        pltpu.VMEM((VT,), jnp.float32),
        pltpu.VMEM((VT,), jnp.float32),
        pltpu.VMEM((VT,), jnp.float32),
        pltpu.VMEM((VT,), jnp.float32),
        pltpu.VMEM((VT,), jnp.float32),
        pltpu.VMEM((FT,), jnp.float32),
        pltpu.VMEM((FT,), jnp.int32),
        pltpu.VMEM((FT,), jnp.int32),
        pltpu.VMEM((FT,), jnp.int32),
        pltpu.VMEM((FT,), jnp.float32),
        pltpu.VMEM((FT,), jnp.float32),
        pltpu.VMEM((FT,), jnp.float32),
        pltpu.VMEM((FT,), jnp.float32),
        pltpu.SemaphoreType.DMA,
        pltpu.SemaphoreType.DMA,
        pltpu.SemaphoreType.DMA,
        pltpu.SemaphoreType.DMA,
        pltpu.SemaphoreType.DMA,
    ],
)


def _finalize_body(tp_ref, cp_ref, s_ref, out_ref):
    t = tp_ref[0] + tp_ref[1]
    c = cp_ref[0] + cp_ref[1]
    s = s_ref[...]
    deg = jnp.maximum(2.0 * c, 1.0)
    term = (t - c * s) / deg
    val = (jnp.sum(s) - jnp.sum(term)) / jnp.float32(3 * NUM_V)
    out_ref[...] = jnp.broadcast_to(val, (1, 1))


def kernel(verts, faces):
    vt3 = jnp.pad(verts, ((0, VP - NUM_V), (0, 0))).T.reshape(3 * NS, VT)
    dummy_faces = jnp.asarray(
        DUMMY + (np.arange((FP - NUM_F) * 3, dtype=np.int32)
                 % (VP - NUM_V)).reshape(FP - NUM_F, 3))
    ft3 = jnp.concatenate([faces, dummy_faces]).reshape(NW, FT, 3
                  ).transpose(0, 2, 1).reshape(NW * 3, FT)

    t_p, c_p, s_p = _sc_call(vt3, ft3)

    out = pl.pallas_call(
        _finalize_body,
        out_shape=jax.ShapeDtypeStruct((1, 1), jnp.float32),
    )(t_p, c_p, s_p)
    return out[0, 0]

# --- scband reference (transcript-rebuilt; emitter-appended) ---
"""Pipeline reference for scband-graph-laplacian-loss-9431748182105 (READ-ONLY COPY).

The authoritative reference and input builder live on the scoring server;
editing this copy changes nothing except your own understanding.
"""

import jax, jax.numpy as jnp
import numpy as np

NUM_V = 100000
NUM_F = 200000


def setup_inputs(seed: int = 0) -> dict:
    key = jax.random.key(seed)
    k1, k2 = jax.random.split(key)
    faces = jax.random.randint(k1, (NUM_F, 3), 0, NUM_V, dtype=jnp.int32)
    verts = jax.random.normal(k2, (NUM_V, 3), dtype=jnp.float32)
    return {"verts": verts, "faces": faces}


def reference(verts, faces):
    # Graph Laplacian from mesh faces: L = I - D^{-1} A (neighbor-mean form).
    # Each triangle (i, j, k) contributes directed incidences
    # (i<-j), (j<-i), (i<-k), (k<-i), (j<-k), (k<-j).
    numV = verts.shape[0]
    i = faces[:, 0]
    j = faces[:, 1]
    k = faces[:, 2]
    rows = jnp.concatenate([i, j, i, k, j, k])
    cols = jnp.concatenate([j, i, k, i, k, j])
    # scatter-add neighbor feature sums (gather + scatter-add: SparseCore friendly)
    neigh_sum = jnp.zeros_like(verts).at[rows].add(verts[cols])
    deg = jnp.zeros((numV,), dtype=verts.dtype).at[rows].add(1.0)
    deg = jnp.maximum(deg, 1.0)  # guard isolated vertices
    Lx = verts - neigh_sum / deg[:, None]
    return Lx.mean()

if __name__ == "__main__":
    import jax
    _d = setup_inputs()
    print(jax.jit(kernel)(*tuple(_d.values())))

</pallas_src>

<mosaic_0001>
#map = affine_map<(d0, d1) -> (0, 0)>
#map1 = affine_map<(d0, d1) -> (0, 0, 0)>
module attributes {stable_mosaic.version = 14 : i64} {
  func.func @_sc_body(%arg0: i32, %arg1: i32, %arg2: memref<48x6256xf32, #tpu.memory_space<hbm>>, %arg3: memref<96x6272xi32, #tpu.memory_space<hbm>>, %arg4: memref<2x16x6256xf32, #tpu.memory_space<hbm>>, %arg5: memref<2x16x6256xf32, #tpu.memory_space<hbm>>, %arg6: memref<16x6256xf32, #tpu.memory_space<hbm>>, %arg7: memref<100096xf32, #tpu.memory_space<vmem_shared>>, %arg8: memref<100096xf32, #tpu.memory_space<vmem_shared>>, %arg9: memref<100096xf32, #tpu.memory_space<vmem_shared>>, %arg10: memref<6256xf32, #tpu.memory_space<vmem>>, %arg11: memref<6256xf32, #tpu.memory_space<vmem>>, %arg12: memref<6256xf32, #tpu.memory_space<vmem>>, %arg13: memref<6256xf32, #tpu.memory_space<vmem>>, %arg14: memref<6256xf32, #tpu.memory_space<vmem>>, %arg15: memref<6272xf32, #tpu.memory_space<vmem>>, %arg16: memref<6272xi32, #tpu.memory_space<vmem>>, %arg17: memref<6272xi32, #tpu.memory_space<vmem>>, %arg18: memref<6272xi32, #tpu.memory_space<vmem>>, %arg19: memref<6272xf32, #tpu.memory_space<vmem>>, %arg20: memref<6272xf32, #tpu.memory_space<vmem>>, %arg21: memref<6272xf32, #tpu.memory_space<vmem>>, %arg22: memref<6272xf32, #tpu.memory_space<vmem>>, %arg23: memref<!tpu.dma_semaphore, #tpu.memory_space<semaphore_mem>>, %arg24: memref<!tpu.dma_semaphore, #tpu.memory_space<semaphore_mem>>, %arg25: memref<!tpu.dma_semaphore, #tpu.memory_space<semaphore_mem>>, %arg26: memref<!tpu.dma_semaphore, #tpu.memory_space<semaphore_mem>>, %arg27: memref<!tpu.dma_semaphore, #tpu.memory_space<semaphore_mem>>) attributes {dimension_semantics = [#tpu.dimension_semantics<core_parallel>, #tpu.dimension_semantics<subcore_parallel>], iteration_bounds = array<i64: 2, 16>, scalar_prefetch = 0 : i64, scratch_operands = 21 : i64, tpu.core_type = #tpu.core_type<sc_vector_subcore>, window_params = [{transform_indices = #map}, {transform_indices = #map}, {transform_indices = #map1}, {transform_indices = #map1}, {transform_indices = #map}]} {
    %mul3A = arith.constant 16 : i32
    %mul3A_0 = arith.muli %arg0, %mul3A : i32
    %add3A = arith.addi %mul3A_0, %arg1 : i32
    %mul3A_1 = arith.constant 6256 : i32
    %mul3A_2 = arith.muli %arg1, %mul3A_1 : i32
    %mul3A_3 = arith.constant 3 : i32
    %mul3A_4 = arith.muli %add3A, %mul3A_3 : i32
    %add3A_5 = arith.constant 0 : i32
    %add3A_6 = arith.addi %mul3A_4, %add3A_5 : i32
    %dma_start3A = arith.constant 0 : i32
    %dma_start3A_7 = tpu.memref_slice %arg3[%add3A_6, %dma_start3A] : memref<96x6272xi32, #tpu.memory_space<hbm>> -> memref<1x6272xi32, #tpu.memory_space<hbm>>
    %dma_start3A_8 = tpu.memref_squeeze %dma_start3A_7 : memref<1x6272xi32, #tpu.memory_space<hbm>> -> memref<6272xi32, #tpu.memory_space<hbm>>
    %dma_start3A_9 = arith.constant 0 : i32
    %dma_start3A_10 = tpu.memref_slice %arg3[%add3A_6, %dma_start3A_9] : memref<96x6272xi32, #tpu.memory_space<hbm>> -> memref<1x6272xi32, #tpu.memory_space<hbm>>
    %dma_start3A_11 = tpu.memref_squeeze %dma_start3A_10 : memref<1x6272xi32, #tpu.memory_space<hbm>> -> memref<6272xi32, #tpu.memory_space<hbm>>
    tpu.enqueue_dma source(%dma_start3A_11 : memref<6272xi32, #tpu.memory_space<hbm>>) target(%arg16 : memref<6272xi32, #tpu.memory_space<vmem>>) target_semaphore(%arg23 : memref<!tpu.dma_semaphore, #tpu.memory_space<semaphore_mem>>)
    %mul3A_12 = arith.constant 3 : i32
    %mul3A_13 = arith.muli %add3A, %mul3A_12 : i32
    %add3A_14 = arith.constant 1 : i32
    %add3A_15 = arith.addi %mul3A_13, %add3A_14 : i32
    %dma_start3A_16 = arith.constant 0 : i32
    %dma_start3A_17 = tpu.memref_slice %arg3[%add3A_15, %dma_start3A_16] : memref<96x6272xi32, #tpu.memory_space<hbm>> -> memref<1x6272xi32, #tpu.memory_space<hbm>>
    %dma_start3A_18 = tpu.memref_squeeze %dma_start3A_17 : memref<1x6272xi32, #tpu.memory_space<hbm>> -> memref<6272xi32, #tpu.memory_space<hbm>>
    %dma_start3A_19 = arith.constant 0 : i32
    %dma_start3A_20 = tpu.memref_slice %arg3[%add3A_15, %dma_start3A_19] : memref<96x6272xi32, #tpu.memory_space<hbm>> -> memref<1x6272xi32, #tpu.memory_space<hbm>>
    %dma_start3A_21 = tpu.memref_squeeze %dma_start3A_20 : memref<1x6272xi32, #tpu.memory_space<hbm>> -> memref<6272xi32, #tpu.memory_space<hbm>>
    tpu.enqueue_dma source(%dma_start3A_21 : memref<6272xi32, #tpu.memory_space<hbm>>) target(%arg17 : memref<6272xi32, #tpu.memory_space<vmem>>) target_semaphore(%arg23 : memref<!tpu.dma_semaphore, #tpu.memory_space<semaphore_mem>>)
    %mul3A_22 = arith.constant 3 : i32
    %mul3A_23 = arith.muli %add3A, %mul3A_22 : i32
    %add3A_24 = arith.constant 2 : i32
    %add3A_25 = arith.addi %mul3A_23, %add3A_24 : i32
    %dma_start3A_26 = arith.constant 0 : i32
    %dma_start3A_27 = tpu.memref_slice %arg3[%add3A_25, %dma_start3A_26] : memref<96x6272xi32, #tpu.memory_space<hbm>> -> memref<1x6272xi32, #tpu.memory_space<hbm>>
    %dma_start3A_28 = tpu.memref_squeeze %dma_start3A_27 : memref<1x6272xi32, #tpu.memory_space<hbm>> -> memref<6272xi32, #tpu.memory_space<hbm>>
    %dma_start3A_29 = arith.constant 0 : i32
    %dma_start3A_30 = tpu.memref_slice %arg3[%add3A_25, %dma_start3A_29] : memref<96x6272xi32, #tpu.memory_space<hbm>> -> memref<1x6272xi32, #tpu.memory_space<hbm>>
    %dma_start3A_31 = tpu.memref_squeeze %dma_start3A_30 : memref<1x6272xi32, #tpu.memory_space<hbm>> -> memref<6272xi32, #tpu.memory_space<hbm>>
    tpu.enqueue_dma source(%dma_start3A_31 : memref<6272xi32, #tpu.memory_space<hbm>>) target(%arg18 : memref<6272xi32, #tpu.memory_space<vmem>>) target_semaphore(%arg23 : memref<!tpu.dma_semaphore, #tpu.memory_space<semaphore_mem>>)
    %dma_start3A_32 = arith.constant 0 : i32
    %dma_start3A_33 = tpu.memref_slice %arg2[%arg1, %dma_start3A_32] : memref<48x6256xf32, #tpu.memory_space<hbm>> -> memref<1x6256xf32, #tpu.memory_space<hbm>>
    %dma_start3A_34 = tpu.memref_squeeze %dma_start3A_33 : memref<1x6256xf32, #tpu.memory_space<hbm>> -> memref<6256xf32, #tpu.memory_space<hbm>>
    %dma_start3A_35 = arith.constant 0 : i32
    %dma_start3A_36 = tpu.memref_slice %arg2[%arg1, %dma_start3A_35] : memref<48x6256xf32, #tpu.memory_space<hbm>> -> memref<1x6256xf32, #tpu.memory_space<hbm>>
    %dma_start3A_37 = tpu.memref_squeeze %dma_start3A_36 : memref<1x6256xf32, #tpu.memory_space<hbm>> -> memref<6256xf32, #tpu.memory_space<hbm>>
    tpu.enqueue_dma source(%dma_start3A_37 : memref<6256xf32, #tpu.memory_space<hbm>>) target(%arg10 : memref<6256xf32, #tpu.memory_space<vmem>>) target_semaphore(%arg24 : memref<!tpu.dma_semaphore, #tpu.memory_space<semaphore_mem>>)
    %add3A_38 = arith.constant 16 : i32
    %add3A_39 = arith.addi %add3A_38, %arg1 : i32
    %dma_start3A_40 = arith.constant 0 : i32
    %dma_start3A_41 = tpu.memref_slice %arg2[%add3A_39, %dma_start3A_40] : memref<48x6256xf32, #tpu.memory_space<hbm>> -> memref<1x6256xf32, #tpu.memory_space<hbm>>
    %dma_start3A_42 = tpu.memref_squeeze %dma_start3A_41 : memref<1x6256xf32, #tpu.memory_space<hbm>> -> memref<6256xf32, #tpu.memory_space<hbm>>
    %dma_start3A_43 = arith.constant 0 : i32
    %dma_start3A_44 = tpu.memref_slice %arg2[%add3A_39, %dma_start3A_43] : memref<48x6256xf32, #tpu.memory_space<hbm>> -> memref<1x6256xf32, #tpu.memory_space<hbm>>
    %dma_start3A_45 = tpu.memref_squeeze %dma_start3A_44 : memref<1x6256xf32, #tpu.memory_space<hbm>> -> memref<6256xf32, #tpu.memory_space<hbm>>
    tpu.enqueue_dma source(%dma_start3A_45 : memref<6256xf32, #tpu.memory_space<hbm>>) target(%arg11 : memref<6256xf32, #tpu.memory_space<vmem>>) target_semaphore(%arg24 : memref<!tpu.dma_semaphore, #tpu.memory_space<semaphore_mem>>)
    %add3A_46 = arith.constant 32 : i32
    %add3A_47 = arith.addi %add3A_46, %arg1 : i32
    %dma_start3A_48 = arith.constant 0 : i32
    %dma_start3A_49 = tpu.memref_slice %arg2[%add3A_47, %dma_start3A_48] : memref<48x6256xf32, #tpu.memory_space<hbm>> -> memref<1x6256xf32, #tpu.memory_space<hbm>>
    %dma_start3A_50 = tpu.memref_squeeze %dma_start3A_49 : memref<1x6256xf32, #tpu.memory_space<hbm>> -> memref<6256xf32, #tpu.memory_space<hbm>>
    %dma_start3A_51 = arith.constant 0 : i32
    %dma_start3A_52 = tpu.memref_slice %arg2[%add3A_47, %dma_start3A_51] : memref<48x6256xf32, #tpu.memory_space<hbm>> -> memref<1x6256xf32, #tpu.memory_space<hbm>>
    %dma_start3A_53 = tpu.memref_squeeze %dma_start3A_52 : memref<1x6256xf32, #tpu.memory_space<hbm>> -> memref<6256xf32, #tpu.memory_space<hbm>>
    tpu.enqueue_dma source(%dma_start3A_53 : memref<6256xf32, #tpu.memory_space<hbm>>) target(%arg12 : memref<6256xf32, #tpu.memory_space<vmem>>) target_semaphore(%arg24 : memref<!tpu.dma_semaphore, #tpu.memory_space<semaphore_mem>>)
    %scan3A = arith.constant 0 : i32
    %scan3A_54 = arith.constant 0 : i32
    %scan3A_55 = arith.constant 98 : i32
    %scan3A_56 = arith.addi %scan3A_54, %scan3A_55 : i32
    %scan3A_57 = arith.constant 1 : i32
    %scan3A_58 = scf.for %scan3A_252 = %scan3A_54 to %scan3A_56 step %scan3A_57 iter_args(%scan3A_253 = %scan3A) -> (i32)  : i32 {
      %broadcast_in_dim3A_254 = arith.constant 1.000000e+00 : f32
      %broadcast_in_dim3A_255 = vector.broadcast %broadcast_in_dim3A_254 : f32 to vector<16xf32>
      %mul3A_256 = arith.constant 4 : i32
      %mul3A_257 = arith.muli %scan3A_252, %mul3A_256 : i32
      %add3A_258 = arith.constant 0 : i32
      %add3A_259 = arith.addi %mul3A_257, %add3A_258 : i32
      %mul3A_260 = arith.constant 16 : i32
      %mul3A_261 = arith.muli %add3A_259, %mul3A_260 : i32
      %swap3A_262 = arith.index_cast %mul3A_261 : i32 to index
      %swap3A_263 = tpu.vector_load %arg15[%swap3A_262] {strides = array<i32>} : memref<6272xf32, #tpu.memory_space<vmem>>, vector<16xf32>,
      %swap3A_264 = vector.shape_cast %swap3A_263 : vector<16xf32> to vector<16xf32>
      %swap3A_265 = vector.shape_cast %broadcast_in_dim3A_255 : vector<16xf32> to vector<16xf32>
      tpu.vector_store %arg15[%swap3A_262], %swap3A_265 {strides = array<i32>} : memref<6272xf32, #tpu.memory_space<vmem>>, vector<16xf32>,
      %broadcast_in_dim3A_266 = arith.constant 1.000000e+00 : f32
      %broadcast_in_dim3A_267 = vector.broadcast %broadcast_in_dim3A_266 : f32 to vector<16xf32>
      %mul3A_268 = arith.constant 4 : i32
      %mul3A_269 = arith.muli %scan3A_252, %mul3A_268 : i32
      %add3A_270 = arith.constant 1 : i32
      %add3A_271 = arith.addi %mul3A_269, %add3A_270 : i32
      %mul3A_272 = arith.constant 16 : i32
      %mul3A_273 = arith.muli %add3A_271, %mul3A_272 : i32
      %swap3A_274 = arith.index_cast %mul3A_273 : i32 to index
      %swap3A_275 = tpu.vector_load %arg15[%swap3A_274] {strides = array<i32>} : memref<6272xf32, #tpu.memory_space<vmem>>, vector<16xf32>,
      %swap3A_276 = vector.shape_cast %swap3A_275 : vector<16xf32> to vector<16xf32>
      %swap3A_277 = vector.shape_cast %broadcast_in_dim3A_267 : vector<16xf32> to vector<16xf32>
      tpu.vector_store %arg15[%swap3A_274], %swap3A_277 {strides = array<i32>} : memref<6272xf32, #tpu.memory_space<vmem>>, vector<16xf32>,
      %broadcast_in_dim3A_278 = arith.constant 1.000000e+00 : f32
      %broadcast_in_dim3A_279 = vector.broadcast %broadcast_in_dim3A_278 : f32 to vector<16xf32>
      %mul3A_280 = arith.constant 4 : i32
      %mul3A_281 = arith.muli %scan3A_252, %mul3A_280 : i32
      %add3A_282 = arith.constant 2 : i32
      %add3A_283 = arith.addi %mul3A_281, %add3A_282 : i32
      %mul3A_284 = arith.constant 16 : i32
      %mul3A_285 = arith.muli %add3A_283, %mul3A_284 : i32
      %swap3A_286 = arith.index_cast %mul3A_285 : i32 to index
      %swap3A_287 = tpu.vector_load %arg15[%swap3A_286] {strides = array<i32>} : memref<6272xf32, #tpu.memory_space<vmem>>, vector<16xf32>,
      %swap3A_288 = vector.shape_cast %swap3A_287 : vector<16xf32> to vector<16xf32>
      %swap3A_289 = vector.shape_cast %broadcast_in_dim3A_279 : vector<16xf32> to vector<16xf32>
      tpu.vector_store %arg15[%swap3A_286], %swap3A_289 {strides = array<i32>} : memref<6272xf32, #tpu.memory_space<vmem>>, vector<16xf32>,
      %broadcast_in_dim3A_290 = arith.constant 1.000000e+00 : f32
      %broadcast_in_dim3A_291 = vector.broadcast %broadcast_in_dim3A_290 : f32 to vector<16xf32>
      %mul3A_292 = arith.constant 4 : i32
      %mul3A_293 = arith.muli %scan3A_252, %mul3A_292 : i32
      %add3A_294 = arith.constant 3 : i32
      %add3A_295 = arith.addi %mul3A_293, %add3A_294 : i32
      %mul3A_296 = arith.constant 16 : i32
      %mul3A_297 = arith.muli %add3A_295, %mul3A_296 : i32
      %swap3A_298 = arith.index_cast %mul3A_297 : i32 to index
      %swap3A_299 = tpu.vector_load %arg15[%swap3A_298] {strides = array<i32>} : memref<6272xf32, #tpu.memory_space<vmem>>, vector<16xf32>,
      %swap3A_300 = vector.shape_cast %swap3A_299 : vector<16xf32> to vector<16xf32>
      %swap3A_301 = vector.shape_cast %broadcast_in_dim3A_291 : vector<16xf32> to vector<16xf32>
      tpu.vector_store %arg15[%swap3A_298], %swap3A_301 {strides = array<i32>} : memref<6272xf32, #tpu.memory_space<vmem>>, vector<16xf32>,
      %scan3A_302 = arith.constant 0 : i32
      scf.yield %scan3A_302 : i32
    }
    %scan3A_59 = arith.constant 98 : i32
    %dma_wait3A = arith.constant 0 : i32
    %dma_wait3A_60 = tpu.memref_slice %arg2[%arg1, %dma_wait3A] : memref<48x6256xf32, #tpu.memory_space<hbm>> -> memref<1x6256xf32, #tpu.memory_space<hbm>>
    %dma_wait3A_61 = tpu.memref_squeeze %dma_wait3A_60 : memref<1x6256xf32, #tpu.memory_space<hbm>> -> memref<6256xf32, #tpu.memory_space<hbm>>
    %dma_wait3A_62 = arith.constant 0 : i32
    %dma_wait3A_63 = tpu.memref_slice %arg2[%arg1, %dma_wait3A_62] : memref<48x6256xf32, #tpu.memory_space<hbm>> -> memref<1x6256xf32, #tpu.memory_space<hbm>>
    %dma_wait3A_64 = tpu.memref_squeeze %dma_wait3A_63 : memref<1x6256xf32, #tpu.memory_space<hbm>> -> memref<6256xf32, #tpu.memory_space<hbm>>
    tpu.wait_dma2 semaphore(%arg24 : memref<!tpu.dma_semaphore, #tpu.memory_space<semaphore_mem>>) src(%dma_wait3A_64 : memref<6256xf32, #tpu.memory_space<hbm>>) dst(%arg10 : memref<6256xf32, #tpu.memory_space<vmem>>)
    %dma_wait3A_65 = arith.constant 0 : i32
    %dma_wait3A_66 = tpu.memref_slice %arg2[%add3A_39, %dma_wait3A_65] : memref<48x6256xf32, #tpu.memory_space<hbm>> -> memref<1x6256xf32, #tpu.memory_space<hbm>>
    %dma_wait3A_67 = tpu.memref_squeeze %dma_wait3A_66 : memref<1x6256xf32, #tpu.memory_space<hbm>> -> memref<6256xf32, #tpu.memory_space<hbm>>
    %dma_wait3A_68 = arith.constant 0 : i32
    %dma_wait3A_69 = tpu.memref_slice %arg2[%add3A_39, %dma_wait3A_68] : memref<48x6256xf32, #tpu.memory_space<hbm>> -> memref<1x6256xf32, #tpu.memory_space<hbm>>
    %dma_wait3A_70 = tpu.memref_squeeze %dma_wait3A_69 : memref<1x6256xf32, #tpu.memory_space<hbm>> -> memref<6256xf32, #tpu.memory_space<hbm>>
    tpu.wait_dma2 semaphore(%arg24 : memref<!tpu.dma_semaphore, #tpu.memory_space<semaphore_mem>>) src(%dma_wait3A_70 : memref<6256xf32, #tpu.memory_space<hbm>>) dst(%arg11 : memref<6256xf32, #tpu.memory_space<vmem>>)
    %dma_wait3A_71 = arith.constant 0 : i32
    %dma_wait3A_72 = tpu.memref_slice %arg2[%add3A_47, %dma_wait3A_71] : memref<48x6256xf32, #tpu.memory_space<hbm>> -> memref<1x6256xf32, #tpu.memory_space<hbm>>
    %dma_wait3A_73 = tpu.memref_squeeze %dma_wait3A_72 : memref<1x6256xf32, #tpu.memory_space<hbm>> -> memref<6256xf32, #tpu.memory_space<hbm>>
    %dma_wait3A_74 = arith.constant 0 : i32
    %dma_wait3A_75 = tpu.memref_slice %arg2[%add3A_47, %dma_wait3A_74] : memref<48x6256xf32, #tpu.memory_space<hbm>> -> memref<1x6256xf32, #tpu.memory_space<hbm>>
    %dma_wait3A_76 = tpu.memref_squeeze %dma_wait3A_75 : memref<1x6256xf32, #tpu.memory_space<hbm>> -> memref<6256xf32, #tpu.memory_space<hbm>>
    tpu.wait_dma2 semaphore(%arg24 : memref<!tpu.dma_semaphore, #tpu.memory_space<semaphore_mem>>) src(%dma_wait3A_76 : memref<6256xf32, #tpu.memory_space<hbm>>) dst(%arg12 : memref<6256xf32, #tpu.memory_space<vmem>>)
    %scan3A_77 = arith.constant 0 : i32
    %scan3A_78 = arith.constant 0 : i32
    %scan3A_79 = arith.constant 97 : i32
    %scan3A_80 = arith.addi %scan3A_78, %scan3A_79 : i32
    %scan3A_81 = arith.constant 1 : i32
    %scan3A_82 = scf.for %scan3A_252 = %scan3A_78 to %scan3A_80 step %scan3A_81 iter_args(%scan3A_253 = %scan3A_77) -> (i32)  : i32 {
      %mul3A_254 = arith.constant 4 : i32
      %mul3A_255 = arith.muli %scan3A_252, %mul3A_254 : i32
      %add3A_256 = arith.constant 0 : i32
      %add3A_257 = arith.addi %mul3A_255, %add3A_256 : i32
      %mul3A_258 = arith.constant 16 : i32
      %mul3A_259 = arith.muli %add3A_257, %mul3A_258 : i32
      %get3A_260 = arith.index_cast %mul3A_259 : i32 to index
      %get3A_261 = tpu.vector_load %arg10[%get3A_260] {strides = array<i32>} : memref<6256xf32, #tpu.memory_space<vmem>>, vector<16xf32>,
      %get3A_262 = vector.shape_cast %get3A_261 : vector<16xf32> to vector<16xf32>
      %get3A_263 = arith.index_cast %mul3A_259 : i32 to index
      %get3A_264 = tpu.vector_load %arg11[%get3A_263] {strides = array<i32>} : memref<6256xf32, #tpu.memory_space<vmem>>, vector<16xf32>,
      %get3A_265 = vector.shape_cast %get3A_264 : vector<16xf32> to vector<16xf32>
      %add3A_266 = arith.addf %get3A_262, %get3A_265 : vector<16xf32>
      %get3A_267 = arith.index_cast %mul3A_259 : i32 to index
      %get3A_268 = tpu.vector_load %arg12[%get3A_267] {strides = array<i32>} : memref<6256xf32, #tpu.memory_space<vmem>>, vector<16xf32>,
      %get3A_269 = vector.shape_cast %get3A_268 : vector<16xf32> to vector<16xf32>
      %add3A_270 = arith.addf %add3A_266, %get3A_269 : vector<16xf32>
      %swap3A_271 = arith.index_cast %mul3A_259 : i32 to index
      %swap3A_272 = tpu.vector_load %arg13[%swap3A_271] {strides = array<i32>} : memref<6256xf32, #tpu.memory_space<vmem>>, vector<16xf32>,
      %swap3A_273 = vector.shape_cast %swap3A_272 : vector<16xf32> to vector<16xf32>
      %swap3A_274 = vector.shape_cast %add3A_270 : vector<16xf32> to vector<16xf32>
      tpu.vector_store %arg13[%swap3A_271], %swap3A_274 {strides = array<i32>} : memref<6256xf32, #tpu.memory_space<vmem>>, vector<16xf32>,
      %broadcast_in_dim3A_275 = arith.constant 0.000000e+00 : f32
      %broadcast_in_dim3A_276 = vector.broadcast %broadcast_in_dim3A_275 : f32 to vector<16xf32>
      %swap3A_277 = arith.index_cast %mul3A_259 : i32 to index
      %swap3A_278 = tpu.vector_load %arg14[%swap3A_277] {strides = array<i32>} : memref<6256xf32, #tpu.memory_space<vmem>>, vector<16xf32>,
      %swap3A_279 = vector.shape_cast %swap3A_278 : vector<16xf32> to vector<16xf32>
      %swap3A_280 = vector.shape_cast %broadcast_in_dim3A_276 : vector<16xf32> to vector<16xf32>
      tpu.vector_store %arg14[%swap3A_277], %swap3A_280 {strides = array<i32>} : memref<6256xf32, #tpu.memory_space<vmem>>, vector<16xf32>,
      %mul3A_281 = arith.constant 4 : i32
      %mul3A_282 = arith.muli %scan3A_252, %mul3A_281 : i32
      %add3A_283 = arith.constant 1 : i32
      %add3A_284 = arith.addi %mul3A_282, %add3A_283 : i32
      %mul3A_285 = arith.constant 16 : i32
      %mul3A_286 = arith.muli %add3A_284, %mul3A_285 : i32
      %get3A_287 = arith.index_cast %mul3A_286 : i32 to index
      %get3A_288 = tpu.vector_load %arg10[%get3A_287] {strides = array<i32>} : memref<6256xf32, #tpu.memory_space<vmem>>, vector<16xf32>,
      %get3A_289 = vector.shape_cast %get3A_288 : vector<16xf32> to vector<16xf32>
      %get3A_290 = arith.index_cast %mul3A_286 : i32 to index
      %get3A_291 = tpu.vector_load %arg11[%get3A_290] {strides = array<i32>} : memref<6256xf32, #tpu.memory_space<vmem>>, vector<16xf32>,
      %get3A_292 = vector.shape_cast %get3A_291 : vector<16xf32> to vector<16xf32>
      %add3A_293 = arith.addf %get3A_289, %get3A_292 : vector<16xf32>
      %get3A_294 = arith.index_cast %mul3A_286 : i32 to index
      %get3A_295 = tpu.vector_load %arg12[%get3A_294] {strides = array<i32>} : memref<6256xf32, #tpu.memory_space<vmem>>, vector<16xf32>,
      %get3A_296 = vector.shape_cast %get3A_295 : vector<16xf32> to vector<16xf32>
      %add3A_297 = arith.addf %add3A_293, %get3A_296 : vector<16xf32>
      %swap3A_298 = arith.index_cast %mul3A_286 : i32 to index
      %swap3A_299 = tpu.vector_load %arg13[%swap3A_298] {strides = array<i32>} : memref<6256xf32, #tpu.memory_space<vmem>>, vector<16xf32>,
      %swap3A_300 = vector.shape_cast %swap3A_299 : vector<16xf32> to vector<16xf32>
      %swap3A_301 = vector.shape_cast %add3A_297 : vector<16xf32> to vector<16xf32>
      tpu.vector_store %arg13[%swap3A_298], %swap3A_301 {strides = array<i32>} : memref<6256xf32, #tpu.memory_space<vmem>>, vector<16xf32>,
      %broadcast_in_dim3A_302 = arith.constant 0.000000e+00 : f32
      %broadcast_in_dim3A_303 = vector.broadcast %broadcast_in_dim3A_302 : f32 to vector<16xf32>
      %swap3A_304 = arith.index_cast %mul3A_286 : i32 to index
      %swap3A_305 = tpu.vector_load %arg14[%swap3A_304] {strides = array<i32>} : memref<6256xf32, #tpu.memory_space<vmem>>, vector<16xf32>,
      %swap3A_306 = vector.shape_cast %swap3A_305 : vector<16xf32> to vector<16xf32>
      %swap3A_307 = vector.shape_cast %broadcast_in_dim3A_303 : vector<16xf32> to vector<16xf32>
      tpu.vector_store %arg14[%swap3A_304], %swap3A_307 {strides = array<i32>} : memref<6256xf32, #tpu.memory_space<vmem>>, vector<16xf32>,
      %mul3A_308 = arith.constant 4 : i32
      %mul3A_309 = arith.muli %scan3A_252, %mul3A_308 : i32
      %add3A_310 = arith.constant 2 : i32
      %add3A_311 = arith.addi %mul3A_309, %add3A_310 : i32
      %mul3A_312 = arith.constant 16 : i32
      %mul3A_313 = arith.muli %add3A_311, %mul3A_312 : i32
      %get3A_314 = arith.index_cast %mul3A_313 : i32 to index
      %get3A_315 = tpu.vector_load %arg10[%get3A_314] {strides = array<i32>} : memref<6256xf32, #tpu.memory_space<vmem>>, vector<16xf32>,
      %get3A_316 = vector.shape_cast %get3A_315 : vector<16xf32> to vector<16xf32>
      %get3A_317 = arith.index_cast %mul3A_313 : i32 to index
      %get3A_318 = tpu.vector_load %arg11[%get3A_317] {strides = array<i32>} : memref<6256xf32, #tpu.memory_space<vmem>>, vector<16xf32>,
      %get3A_319 = vector.shape_cast %get3A_318 : vector<16xf32> to vector<16xf32>
      %add3A_320 = arith.addf %get3A_316, %get3A_319 : vector<16xf32>
      %get3A_321 = arith.index_cast %mul3A_313 : i32 to index
      %get3A_322 = tpu.vector_load %arg12[%get3A_321] {strides = array<i32>} : memref<6256xf32, #tpu.memory_space<vmem>>, vector<16xf32>,
      %get3A_323 = vector.shape_cast %get3A_322 : vector<16xf32> to vector<16xf32>
      %add3A_324 = arith.addf %add3A_320, %get3A_323 : vector<16xf32>
      %swap3A_325 = arith.index_cast %mul3A_313 : i32 to index
      %swap3A_326 = tpu.vector_load %arg13[%swap3A_325] {strides = array<i32>} : memref<6256xf32, #tpu.memory_space<vmem>>, vector<16xf32>,
      %swap3A_327 = vector.shape_cast %swap3A_326 : vector<16xf32> to vector<16xf32>
      %swap3A_328 = vector.shape_cast %add3A_324 : vector<16xf32> to vector<16xf32>
      tpu.vector_store %arg13[%swap3A_325], %swap3A_328 {strides = array<i32>} : memref<6256xf32, #tpu.memory_space<vmem>>, vector<16xf32>,
      %broadcast_in_dim3A_329 = arith.constant 0.000000e+00 : f32
      %broadcast_in_dim3A_330 = vector.broadcast %broadcast_in_dim3A_329 : f32 to vector<16xf32>
      %swap3A_331 = arith.index_cast %mul3A_313 : i32 to index
      %swap3A_332 = tpu.vector_load %arg14[%swap3A_331] {strides = array<i32>} : memref<6256xf32, #tpu.memory_space<vmem>>, vector<16xf32>,
      %swap3A_333 = vector.shape_cast %swap3A_332 : vector<16xf32> to vector<16xf32>
      %swap3A_334 = vector.shape_cast %broadcast_in_dim3A_330 : vector<16xf32> to vector<16xf32>
      tpu.vector_store %arg14[%swap3A_331], %swap3A_334 {strides = array<i32>} : memref<6256xf32, #tpu.memory_space<vmem>>, vector<16xf32>,
      %mul3A_335 = arith.constant 4 : i32
      %mul3A_336 = arith.muli %scan3A_252, %mul3A_335 : i32
      %add3A_337 = arith.constant 3 : i32
      %add3A_338 = arith.addi %mul3A_336, %add3A_337 : i32
      %mul3A_339 = arith.constant 16 : i32
      %mul3A_340 = arith.muli %add3A_338, %mul3A_339 : i32
      %get3A_341 = arith.index_cast %mul3A_340 : i32 to index
      %get3A_342 = tpu.vector_load %arg10[%get3A_341] {strides = array<i32>} : memref<6256xf32, #tpu.memory_space<vmem>>, vector<16xf32>,
      %get3A_343 = vector.shape_cast %get3A_342 : vector<16xf32> to vector<16xf32>
      %get3A_344 = arith.index_cast %mul3A_340 : i32 to index
      %get3A_345 = tpu.vector_load %arg11[%get3A_344] {strides = array<i32>} : memref<6256xf32, #tpu.memory_space<vmem>>, vector<16xf32>,
      %get3A_346 = vector.shape_cast %get3A_345 : vector<16xf32> to vector<16xf32>
      %add3A_347 = arith.addf %get3A_343, %get3A_346 : vector<16xf32>
      %get3A_348 = arith.index_cast %mul3A_340 : i32 to index
      %get3A_349 = tpu.vector_load %arg12[%get3A_348] {strides = array<i32>} : memref<6256xf32, #tpu.memory_space<vmem>>, vector<16xf32>,
      %get3A_350 = vector.shape_cast %get3A_349 : vector<16xf32> to vector<16xf32>
      %add3A_351 = arith.addf %add3A_347, %get3A_350 : vector<16xf32>
      %swap3A_352 = arith.index_cast %mul3A_340 : i32 to index
      %swap3A_353 = tpu.vector_load %arg13[%swap3A_352] {strides = array<i32>} : memref<6256xf32, #tpu.memory_space<vmem>>, vector<16xf32>,
      %swap3A_354 = vector.shape_cast %swap3A_353 : vector<16xf32> to vector<16xf32>
      %swap3A_355 = vector.shape_cast %add3A_351 : vector<16xf32> to vector<16xf32>
      tpu.vector_store %arg13[%swap3A_352], %swap3A_355 {strides = array<i32>} : memref<6256xf32, #tpu.memory_space<vmem>>, vector<16xf32>,
      %broadcast_in_dim3A_356 = arith.constant 0.000000e+00 : f32
      %broadcast_in_dim3A_357 = vector.broadcast %broadcast_in_dim3A_356 : f32 to vector<16xf32>
      %swap3A_358 = arith.index_cast %mul3A_340 : i32 to index
      %swap3A_359 = tpu.vector_load %arg14[%swap3A_358] {strides = array<i32>} : memref<6256xf32, #tpu.memory_space<vmem>>, vector<16xf32>,
      %swap3A_360 = vector.shape_cast %swap3A_359 : vector<16xf32> to vector<16xf32>
      %swap3A_361 = vector.shape_cast %broadcast_in_dim3A_357 : vector<16xf32> to vector<16xf32>
      tpu.vector_store %arg14[%swap3A_358], %swap3A_361 {strides = array<i32>} : memref<6256xf32, #tpu.memory_space<vmem>>, vector<16xf32>,
      %scan3A_362 = arith.constant 0 : i32
      scf.yield %scan3A_362 : i32
    }
    %scan3A_83 = arith.constant 97 : i32
    %get3A = arith.constant 6208 : index
    %get3A_84 = tpu.vector_load %arg10[%get3A] {strides = array<i32>} : memref<6256xf32, #tpu.memory_space<vmem>>, vector<16xf32>,
    %get3A_85 = vector.shape_cast %get3A_84 : vector<16xf32> to vector<16xf32>
    %get3A_86 = arith.constant 6208 : index
    %get3A_87 = tpu.vector_load %arg11[%get3A_86] {strides = array<i32>} : memref<6256xf32, #tpu.memory_space<vmem>>, vector<16xf32>,
    %get3A_88 = vector.shape_cast %get3A_87 : vector<16xf32> to vector<16xf32>
    %add3A_89 = arith.addf %get3A_85, %get3A_88 : vector<16xf32>
    %get3A_90 = arith.constant 6208 : index
    %get3A_91 = tpu.vector_load %arg12[%get3A_90] {strides = array<i32>} : memref<6256xf32, #tpu.memory_space<vmem>>, vector<16xf32>,
    %get3A_92 = vector.shape_cast %get3A_91 : vector<16xf32> to vector<16xf32>
    %add3A_93 = arith.addf %add3A_89, %get3A_92 : vector<16xf32>
    %swap3A = arith.constant 6208 : index
    %swap3A_94 = tpu.vector_load %arg13[%swap3A] {strides = array<i32>} : memref<6256xf32, #tpu.memory_space<vmem>>, vector<16xf32>,
    %swap3A_95 = vector.shape_cast %swap3A_94 : vector<16xf32> to vector<16xf32>
    %swap3A_96 = vector.shape_cast %add3A_93 : vector<16xf32> to vector<16xf32>
    tpu.vector_store %arg13[%swap3A], %swap3A_96 {strides = array<i32>} : memref<6256xf32, #tpu.memory_space<vmem>>, vector<16xf32>,
    %broadcast_in_dim3A = arith.constant 0.000000e+00 : f32
    %broadcast_in_dim3A_97 = vector.broadcast %broadcast_in_dim3A : f32 to vector<16xf32>
    %swap3A_98 = arith.constant 6208 : index
    %swap3A_99 = tpu.vector_load %arg14[%swap3A_98] {strides = array<i32>} : memref<6256xf32, #tpu.memory_space<vmem>>, vector<16xf32>,
    %swap3A_100 = vector.shape_cast %swap3A_99 : vector<16xf32> to vector<16xf32>
    %swap3A_101 = vector.shape_cast %broadcast_in_dim3A_97 : vector<16xf32> to vector<16xf32>
    tpu.vector_store %arg14[%swap3A_98], %swap3A_101 {strides = array<i32>} : memref<6256xf32, #tpu.memory_space<vmem>>, vector<16xf32>,
    %get3A_102 = arith.constant 6224 : index
    %get3A_103 = tpu.vector_load %arg10[%get3A_102] {strides = array<i32>} : memref<6256xf32, #tpu.memory_space<vmem>>, vector<16xf32>,
    %get3A_104 = vector.shape_cast %get3A_103 : vector<16xf32> to vector<16xf32>
    %get3A_105 = arith.constant 6224 : index
    %get3A_106 = tpu.vector_load %arg11[%get3A_105] {strides = array<i32>} : memref<6256xf32, #tpu.memory_space<vmem>>, vector<16xf32>,
    %get3A_107 = vector.shape_cast %get3A_106 : vector<16xf32> to vector<16xf32>
    %add3A_108 = arith.addf %get3A_104, %get3A_107 : vector<16xf32>
    %get3A_109 = arith.constant 6224 : index
    %get3A_110 = tpu.vector_load %arg12[%get3A_109] {strides = array<i32>} : memref<6256xf32, #tpu.memory_space<vmem>>, vector<16xf32>,
    %get3A_111 = vector.shape_cast %get3A_110 : vector<16xf32> to vector<16xf32>
    %add3A_112 = arith.addf %add3A_108, %get3A_111 : vector<16xf32>
    %swap3A_113 = arith.constant 6224 : index
    %swap3A_114 = tpu.vector_load %arg13[%swap3A_113] {strides = array<i32>} : memref<6256xf32, #tpu.memory_space<vmem>>, vector<16xf32>,
    %swap3A_115 = vector.shape_cast %swap3A_114 : vector<16xf32> to vector<16xf32>
    %swap3A_116 = vector.shape_cast %add3A_112 : vector<16xf32> to vector<16xf32>
    tpu.vector_store %arg13[%swap3A_113], %swap3A_116 {strides = array<i32>} : memref<6256xf32, #tpu.memory_space<vmem>>, vector<16xf32>,
    %broadcast_in_dim3A_117 = arith.constant 0.000000e+00 : f32
    %broadcast_in_dim3A_118 = vector.broadcast %broadcast_in_dim3A_117 : f32 to vector<16xf32>
    %swap3A_119 = arith.constant 6224 : index
    %swap3A_120 = tpu.vector_load %arg14[%swap3A_119] {strides = array<i32>} : memref<6256xf32, #tpu.memory_space<vmem>>, vector<16xf32>,
    %swap3A_121 = vector.shape_cast %swap3A_120 : vector<16xf32> to vector<16xf32>
    %swap3A_122 = vector.shape_cast %broadcast_in_dim3A_118 : vector<16xf32> to vector<16xf32>
    tpu.vector_store %arg14[%swap3A_119], %swap3A_122 {strides = array<i32>} : memref<6256xf32, #tpu.memory_space<vmem>>, vector<16xf32>,
    %get3A_123 = arith.constant 6240 : index
    %get3A_124 = tpu.vector_load %arg10[%get3A_123] {strides = array<i32>} : memref<6256xf32, #tpu.memory_space<vmem>>, vector<16xf32>,
    %get3A_125 = vector.shape_cast %get3A_124 : vector<16xf32> to vector<16xf32>
    %get3A_126 = arith.constant 6240 : index
    %get3A_127 = tpu.vector_load %arg11[%get3A_126] {strides = array<i32>} : memref<6256xf32, #tpu.memory_space<vmem>>, vector<16xf32>,
    %get3A_128 = vector.shape_cast %get3A_127 : vector<16xf32> to vector<16xf32>
    %add3A_129 = arith.addf %get3A_125, %get3A_128 : vector<16xf32>
    %get3A_130 = arith.constant 6240 : index
    %get3A_131 = tpu.vector_load %arg12[%get3A_130] {strides = array<i32>} : memref<6256xf32, #tpu.memory_space<vmem>>, vector<16xf32>,
    %get3A_132 = vector.shape_cast %get3A_131 : vector<16xf32> to vector<16xf32>
    %add3A_133 = arith.addf %add3A_129, %get3A_132 : vector<16xf32>
    %swap3A_134 = arith.constant 6240 : index
    %swap3A_135 = tpu.vector_load %arg13[%swap3A_134] {strides = array<i32>} : memref<6256xf32, #tpu.memory_space<vmem>>, vector<16xf32>,
    %swap3A_136 = vector.shape_cast %swap3A_135 : vector<16xf32> to vector<16xf32>
    %swap3A_137 = vector.shape_cast %add3A_133 : vector<16xf32> to vector<16xf32>
    tpu.vector_store %arg13[%swap3A_134], %swap3A_137 {strides = array<i32>} : memref<6256xf32, #tpu.memory_space<vmem>>, vector<16xf32>,
    %broadcast_in_dim3A_138 = arith.constant 0.000000e+00 : f32
    %broadcast_in_dim3A_139 = vector.broadcast %broadcast_in_dim3A_138 : f32 to vector<16xf32>
    %swap3A_140 = arith.constant 6240 : index
    %swap3A_141 = tpu.vector_load %arg14[%swap3A_140] {strides = array<i32>} : memref<6256xf32, #tpu.memory_space<vmem>>, vector<16xf32>,
    %swap3A_142 = vector.shape_cast %swap3A_141 : vector<16xf32> to vector<16xf32>
    %swap3A_143 = vector.shape_cast %broadcast_in_dim3A_139 : vector<16xf32> to vector<16xf32>
    tpu.vector_store %arg14[%swap3A_140], %swap3A_143 {strides = array<i32>} : memref<6256xf32, #tpu.memory_space<vmem>>, vector<16xf32>,
    %dma_start3A_144 = tpu.memref_slice %arg7[%mul3A_2] : memref<100096xf32, #tpu.memory_space<vmem_shared>> -> memref<6256xf32, #tpu.memory_space<vmem_shared>>
    %dma_start3A_145 = tpu.memref_slice %arg7[%mul3A_2] : memref<100096xf32, #tpu.memory_space<vmem_shared>> -> memref<6256xf32, #tpu.memory_space<vmem_shared>>
    tpu.enqueue_dma source(%arg13 : memref<6256xf32, #tpu.memory_space<vmem>>) target(%dma_start3A_145 : memref<6256xf32, #tpu.memory_space<vmem_shared>>) target_semaphore(%arg24 : memref<!tpu.dma_semaphore, #tpu.memory_space<semaphore_mem>>)
    %dma_start3A_146 = tpu.memref_slice %arg8[%mul3A_2] : memref<100096xf32, #tpu.memory_space<vmem_shared>> -> memref<6256xf32, #tpu.memory_space<vmem_shared>>
    %dma_start3A_147 = tpu.memref_slice %arg8[%mul3A_2] : memref<100096xf32, #tpu.memory_space<vmem_shared>> -> memref<6256xf32, #tpu.memory_space<vmem_shared>>
    tpu.enqueue_dma source(%arg14 : memref<6256xf32, #tpu.memory_space<vmem>>) target(%dma_start3A_147 : memref<6256xf32, #tpu.memory_space<vmem_shared>>) target_semaphore(%arg25 : memref<!tpu.dma_semaphore, #tpu.memory_space<semaphore_mem>>)
    %dma_start3A_148 = tpu.memref_slice %arg9[%mul3A_2] : memref<100096xf32, #tpu.memory_space<vmem_shared>> -> memref<6256xf32, #tpu.memory_space<vmem_shared>>
    %dma_start3A_149 = tpu.memref_slice %arg9[%mul3A_2] : memref<100096xf32, #tpu.memory_space<vmem_shared>> -> memref<6256xf32, #tpu.memory_space<vmem_shared>>
    tpu.enqueue_dma source(%arg14 : memref<6256xf32, #tpu.memory_space<vmem>>) target(%dma_start3A_149 : memref<6256xf32, #tpu.memory_space<vmem_shared>>) target_semaphore(%arg25 : memref<!tpu.dma_semaphore, #tpu.memory_space<semaphore_mem>>)
    %dma_wait3A_150 = tpu.memref_slice %arg7[%mul3A_2] : memref<100096xf32, #tpu.memory_space<vmem_shared>> -> memref<6256xf32, #tpu.memory_space<vmem_shared>>
    %dma_wait3A_151 = tpu.memref_slice %arg7[%mul3A_2] : memref<100096xf32, #tpu.memory_space<vmem_shared>> -> memref<6256xf32, #tpu.memory_space<vmem_shared>>
    tpu.wait_dma2 semaphore(%arg24 : memref<!tpu.dma_semaphore, #tpu.memory_space<semaphore_mem>>) src(%arg13 : memref<6256xf32, #tpu.memory_space<vmem>>) dst(%dma_wait3A_151 : memref<6256xf32, #tpu.memory_space<vmem_shared>>)
    %dma_wait3A_152 = arith.constant 0 : i32
    %dma_wait3A_153 = tpu.memref_slice %arg3[%add3A_6, %dma_wait3A_152] : memref<96x6272xi32, #tpu.memory_space<hbm>> -> memref<1x6272xi32, #tpu.memory_space<hbm>>
    %dma_wait3A_154 = tpu.memref_squeeze %dma_wait3A_153 : memref<1x6272xi32, #tpu.memory_space<hbm>> -> memref<6272xi32, #tpu.memory_space<hbm>>
    %dma_wait3A_155 = arith.constant 0 : i32
    %dma_wait3A_156 = tpu.memref_slice %arg3[%add3A_6, %dma_wait3A_155] : memref<96x6272xi32, #tpu.memory_space<hbm>> -> memref<1x6272xi32, #tpu.memory_space<hbm>>
    %dma_wait3A_157 = tpu.memref_squeeze %dma_wait3A_156 : memref<1x6272xi32, #tpu.memory_space<hbm>> -> memref<6272xi32, #tpu.memory_space<hbm>>
    tpu.wait_dma2 semaphore(%arg23 : memref<!tpu.dma_semaphore, #tpu.memory_space<semaphore_mem>>) src(%dma_wait3A_157 : memref<6272xi32, #tpu.memory_space<hbm>>) dst(%arg16 : memref<6272xi32, #tpu.memory_space<vmem>>)
    %dma_wait3A_158 = arith.constant 0 : i32
    %dma_wait3A_159 = tpu.memref_slice %arg3[%add3A_15, %dma_wait3A_158] : memref<96x6272xi32, #tpu.memory_space<hbm>> -> memref<1x6272xi32, #tpu.memory_space<hbm>>
    %dma_wait3A_160 = tpu.memref_squeeze %dma_wait3A_159 : memref<1x6272xi32, #tpu.memory_space<hbm>> -> memref<6272xi32, #tpu.memory_space<hbm>>
    %dma_wait3A_161 = arith.constant 0 : i32
    %dma_wait3A_162 = tpu.memref_slice %arg3[%add3A_15, %dma_wait3A_161] : memref<96x6272xi32, #tpu.memory_space<hbm>> -> memref<1x6272xi32, #tpu.memory_space<hbm>>
    %dma_wait3A_163 = tpu.memref_squeeze %dma_wait3A_162 : memref<1x6272xi32, #tpu.memory_space<hbm>> -> memref<6272xi32, #tpu.memory_space<hbm>>
    tpu.wait_dma2 semaphore(%arg23 : memref<!tpu.dma_semaphore, #tpu.memory_space<semaphore_mem>>) src(%dma_wait3A_163 : memref<6272xi32, #tpu.memory_space<hbm>>) dst(%arg17 : memref<6272xi32, #tpu.memory_space<vmem>>)
    %dma_wait3A_164 = arith.constant 0 : i32
    %dma_wait3A_165 = tpu.memref_slice %arg3[%add3A_25, %dma_wait3A_164] : memref<96x6272xi32, #tpu.memory_space<hbm>> -> memref<1x6272xi32, #tpu.memory_space<hbm>>
    %dma_wait3A_166 = tpu.memref_squeeze %dma_wait3A_165 : memref<1x6272xi32, #tpu.memory_space<hbm>> -> memref<6272xi32, #tpu.memory_space<hbm>>
    %dma_wait3A_167 = arith.constant 0 : i32
    %dma_wait3A_168 = tpu.memref_slice %arg3[%add3A_25, %dma_wait3A_167] : memref<96x6272xi32, #tpu.memory_space<hbm>> -> memref<1x6272xi32, #tpu.memory_space<hbm>>
    %dma_wait3A_169 = tpu.memref_squeeze %dma_wait3A_168 : memref<1x6272xi32, #tpu.memory_space<hbm>> -> memref<6272xi32, #tpu.memory_space<hbm>>
    tpu.wait_dma2 semaphore(%arg23 : memref<!tpu.dma_semaphore, #tpu.memory_space<semaphore_mem>>) src(%dma_wait3A_169 : memref<6272xi32, #tpu.memory_space<hbm>>) dst(%arg18 : memref<6272xi32, #tpu.memory_space<vmem>>)
    %dma_wait3A_170 = tpu.memref_slice %arg8[%mul3A_2] : memref<100096xf32, #tpu.memory_space<vmem_shared>> -> memref<6256xf32, #tpu.memory_space<vmem_shared>>
    %dma_wait3A_171 = tpu.memref_slice %arg8[%mul3A_2] : memref<100096xf32, #tpu.memory_space<vmem_shared>> -> memref<6256xf32, #tpu.memory_space<vmem_shared>>
    tpu.wait_dma2 semaphore(%arg25 : memref<!tpu.dma_semaphore, #tpu.memory_space<semaphore_mem>>) src(%arg14 : memref<6256xf32, #tpu.memory_space<vmem>>) dst(%dma_wait3A_171 : memref<6256xf32, #tpu.memory_space<vmem_shared>>)
    %dma_wait3A_172 = tpu.memref_slice %arg9[%mul3A_2] : memref<100096xf32, #tpu.memory_space<vmem_shared>> -> memref<6256xf32, #tpu.memory_space<vmem_shared>>
    %dma_wait3A_173 = tpu.memref_slice %arg9[%mul3A_2] : memref<100096xf32, #tpu.memory_space<vmem_shared>> -> memref<6256xf32, #tpu.memory_space<vmem_shared>>
    tpu.wait_dma2 semaphore(%arg25 : memref<!tpu.dma_semaphore, #tpu.memory_space<semaphore_mem>>) src(%arg14 : memref<6256xf32, #tpu.memory_space<vmem>>) dst(%dma_wait3A_173 : memref<6256xf32, #tpu.memory_space<vmem_shared>>)
    %barrier3A = arith.constant 0 : index
    tpu.barrier barrier_id(%barrier3A)
    %dma_start3A_174 = arith.constant 0 : i32
    %dma_start3A_175 = tpu.memref_slice %arg7[%dma_start3A_174] : memref<100096xf32, #tpu.memory_space<vmem_shared>> -> memref<100096xf32, #tpu.memory_space<vmem_shared>>
    tpu.enqueue_indirect_dma source(%dma_start3A_175 : memref<100096xf32, #tpu.memory_space<vmem_shared>>) target(%arg19 : memref<6272xf32, #tpu.memory_space<vmem>>) offsets(%arg16 : memref<6272xi32, #tpu.memory_space<vmem>>) semaphore(%arg26 : memref<!tpu.dma_semaphore, #tpu.memory_space<semaphore_mem>>)
    %dma_start3A_176 = arith.constant 0 : i32
    %dma_start3A_177 = tpu.memref_slice %arg7[%dma_start3A_176] : memref<100096xf32, #tpu.memory_space<vmem_shared>> -> memref<100096xf32, #tpu.memory_space<vmem_shared>>
    tpu.enqueue_indirect_dma source(%dma_start3A_177 : memref<100096xf32, #tpu.memory_space<vmem_shared>>) target(%arg20 : memref<6272xf32, #tpu.memory_space<vmem>>) offsets(%arg17 : memref<6272xi32, #tpu.memory_space<vmem>>) semaphore(%arg26 : memref<!tpu.dma_semaphore, #tpu.memory_space<semaphore_mem>>)
    %dma_start3A_178 = arith.constant 0 : i32
    %dma_start3A_179 = tpu.memref_slice %arg7[%dma_start3A_178] : memref<100096xf32, #tpu.memory_space<vmem_shared>> -> memref<100096xf32, #tpu.memory_space<vmem_shared>>
    tpu.enqueue_indirect_dma source(%dma_start3A_179 : memref<100096xf32, #tpu.memory_space<vmem_shared>>) target(%arg21 : memref<6272xf32, #tpu.memory_space<vmem>>) offsets(%arg18 : memref<6272xi32, #tpu.memory_space<vmem>>) semaphore(%arg26 : memref<!tpu.dma_semaphore, #tpu.memory_space<semaphore_mem>>)
    %dma_start3A_180 = arith.constant 0 : i32
    %dma_start3A_181 = tpu.memref_slice %arg9[%dma_start3A_180] : memref<100096xf32, #tpu.memory_space<vmem_shared>> -> memref<100096xf32, #tpu.memory_space<vmem_shared>>
    tpu.enqueue_indirect_dma source(%arg15 : memref<6272xf32, #tpu.memory_space<vmem>>) target(%dma_start3A_181 : memref<100096xf32, #tpu.memory_space<vmem_shared>>) offsets(%arg16 : memref<6272xi32, #tpu.memory_space<vmem>>) semaphore(%arg27 : memref<!tpu.dma_semaphore, #tpu.memory_space<semaphore_mem>>) {add = true}
    %dma_start3A_182 = arith.constant 0 : i32
    %dma_start3A_183 = tpu.memref_slice %arg9[%dma_start3A_182] : memref<100096xf32, #tpu.memory_space<vmem_shared>> -> memref<100096xf32, #tpu.memory_space<vmem_shared>>
    tpu.enqueue_indirect_dma source(%arg15 : memref<6272xf32, #tpu.memory_space<vmem>>) target(%dma_start3A_183 : memref<100096xf32, #tpu.memory_space<vmem_shared>>) offsets(%arg17 : memref<6272xi32, #tpu.memory_space<vmem>>) semaphore(%arg27 : memref<!tpu.dma_semaphore, #tpu.memory_space<semaphore_mem>>) {add = true}
    %dma_start3A_184 = arith.constant 0 : i32
    %dma_start3A_185 = tpu.memref_slice %arg9[%dma_start3A_184] : memref<100096xf32, #tpu.memory_space<vmem_shared>> -> memref<100096xf32, #tpu.memory_space<vmem_shared>>
    tpu.enqueue_indirect_dma source(%arg15 : memref<6272xf32, #tpu.memory_space<vmem>>) target(%dma_start3A_185 : memref<100096xf32, #tpu.memory_space<vmem_shared>>) offsets(%arg18 : memref<6272xi32, #tpu.memory_space<vmem>>) semaphore(%arg27 : memref<!tpu.dma_semaphore, #tpu.memory_space<semaphore_mem>>) {add = true}
    %dma_wait3A_186 = arith.constant 0 : i32
    %dma_wait3A_187 = tpu.memref_slice %arg7[%dma_wait3A_186] : memref<100096xf32, #tpu.memory_space<vmem_shared>> -> memref<100096xf32, #tpu.memory_space<vmem_shared>>
    tpu.wait_indirect_dma semaphore(%arg26 : memref<!tpu.dma_semaphore, #tpu.memory_space<semaphore_mem>>) src(%dma_wait3A_187 : memref<100096xf32, #tpu.memory_space<vmem_shared>>) dst(%arg19 : memref<6272xf32, #tpu.memory_space<vmem>>)
    %dma_wait3A_188 = arith.constant 0 : i32
    %dma_wait3A_189 = tpu.memref_slice %arg7[%dma_wait3A_188] : memref<100096xf32, #tpu.memory_space<vmem_shared>> -> memref<100096xf32, #tpu.memory_space<vmem_shared>>
    tpu.wait_indirect_dma semaphore(%arg26 : memref<!tpu.dma_semaphore, #tpu.memory_space<semaphore_mem>>) src(%dma_wait3A_189 : memref<100096xf32, #tpu.memory_space<vmem_shared>>) dst(%arg20 : memref<6272xf32, #tpu.memory_space<vmem>>)
    %dma_wait3A_190 = arith.constant 0 : i32
    %dma_wait3A_191 = tpu.memref_slice %arg7[%dma_wait3A_190] : memref<100096xf32, #tpu.memory_space<vmem_shared>> -> memref<100096xf32, #tpu.memory_space<vmem_shared>>
    tpu.wait_indirect_dma semaphore(%arg26 : memref<!tpu.dma_semaphore, #tpu.memory_space<semaphore_mem>>) src(%dma_wait3A_191 : memref<100096xf32, #tpu.memory_space<vmem_shared>>) dst(%arg21 : memref<6272xf32, #tpu.memory_space<vmem>>)
    %scan3A_192 = arith.constant 0 : i32
    %scan3A_193 = arith.constant 0 : i32
    %scan3A_194 = arith.constant 98 : i32
    %scan3A_195 = arith.addi %scan3A_193, %scan3A_194 : i32
    %scan3A_196 = arith.constant 1 : i32
    %scan3A_197 = scf.for %scan3A_252 = %scan3A_193 to %scan3A_195 step %scan3A_196 iter_args(%scan3A_253 = %scan3A_192) -> (i32)  : i32 {
      %mul3A_254 = arith.constant 4 : i32
      %mul3A_255 = arith.muli %scan3A_252, %mul3A_254 : i32
      %add3A_256 = arith.constant 0 : i32
      %add3A_257 = arith.addi %mul3A_255, %add3A_256 : i32
      %mul3A_258 = arith.constant 16 : i32
      %mul3A_259 = arith.muli %add3A_257, %mul3A_258 : i32
      %get3A_260 = arith.index_cast %mul3A_259 : i32 to index
      %get3A_261 = tpu.vector_load %arg19[%get3A_260] {strides = array<i32>} : memref<6272xf32, #tpu.memory_space<vmem>>, vector<16xf32>,
      %get3A_262 = vector.shape_cast %get3A_261 : vector<16xf32> to vector<16xf32>
      %get3A_263 = arith.index_cast %mul3A_259 : i32 to index
      %get3A_264 = tpu.vector_load %arg20[%get3A_263] {strides = array<i32>} : memref<6272xf32, #tpu.memory_space<vmem>>, vector<16xf32>,
      %get3A_265 = vector.shape_cast %get3A_264 : vector<16xf32> to vector<16xf32>
      %add3A_266 = arith.addf %get3A_262, %get3A_265 : vector<16xf32>
      %get3A_267 = arith.index_cast %mul3A_259 : i32 to index
      %get3A_268 = tpu.vector_load %arg21[%get3A_267] {strides = array<i32>} : memref<6272xf32, #tpu.memory_space<vmem>>, vector<16xf32>,
      %get3A_269 = vector.shape_cast %get3A_268 : vector<16xf32> to vector<16xf32>
      %add3A_270 = arith.addf %add3A_266, %get3A_269 : vector<16xf32>
      %swap3A_271 = arith.index_cast %mul3A_259 : i32 to index
      %swap3A_272 = tpu.vector_load %arg22[%swap3A_271] {strides = array<i32>} : memref<6272xf32, #tpu.memory_space<vmem>>, vector<16xf32>,
      %swap3A_273 = vector.shape_cast %swap3A_272 : vector<16xf32> to vector<16xf32>
      %swap3A_274 = vector.shape_cast %add3A_270 : vector<16xf32> to vector<16xf32>
      tpu.vector_store %arg22[%swap3A_271], %swap3A_274 {strides = array<i32>} : memref<6272xf32, #tpu.memory_space<vmem>>, vector<16xf32>,
      %mul3A_275 = arith.constant 4 : i32
      %mul3A_276 = arith.muli %scan3A_252, %mul3A_275 : i32
      %add3A_277 = arith.constant 1 : i32
      %add3A_278 = arith.addi %mul3A_276, %add3A_277 : i32
      %mul3A_279 = arith.constant 16 : i32
      %mul3A_280 = arith.muli %add3A_278, %mul3A_279 : i32
      %get3A_281 = arith.index_cast %mul3A_280 : i32 to index
      %get3A_282 = tpu.vector_load %arg19[%get3A_281] {strides = array<i32>} : memref<6272xf32, #tpu.memory_space<vmem>>, vector<16xf32>,
      %get3A_283 = vector.shape_cast %get3A_282 : vector<16xf32> to vector<16xf32>
      %get3A_284 = arith.index_cast %mul3A_280 : i32 to index
      %get3A_285 = tpu.vector_load %arg20[%get3A_284] {strides = array<i32>} : memref<6272xf32, #tpu.memory_space<vmem>>, vector<16xf32>,
      %get3A_286 = vector.shape_cast %get3A_285 : vector<16xf32> to vector<16xf32>
      %add3A_287 = arith.addf %get3A_283, %get3A_286 : vector<16xf32>
      %get3A_288 = arith.index_cast %mul3A_280 : i32 to index
      %get3A_289 = tpu.vector_load %arg21[%get3A_288] {strides = array<i32>} : memref<6272xf32, #tpu.memory_space<vmem>>, vector<16xf32>,
      %get3A_290 = vector.shape_cast %get3A_289 : vector<16xf32> to vector<16xf32>
      %add3A_291 = arith.addf %add3A_287, %get3A_290 : vector<16xf32>
      %swap3A_292 = arith.index_cast %mul3A_280 : i32 to index
      %swap3A_293 = tpu.vector_load %arg22[%swap3A_292] {strides = array<i32>} : memref<6272xf32, #tpu.memory_space<vmem>>, vector<16xf32>,
      %swap3A_294 = vector.shape_cast %swap3A_293 : vector<16xf32> to vector<16xf32>
      %swap3A_295 = vector.shape_cast %add3A_291 : vector<16xf32> to vector<16xf32>
      tpu.vector_store %arg22[%swap3A_292], %swap3A_295 {strides = array<i32>} : memref<6272xf32, #tpu.memory_space<vmem>>, vector<16xf32>,
      %mul3A_296 = arith.constant 4 : i32
      %mul3A_297 = arith.muli %scan3A_252, %mul3A_296 : i32
      %add3A_298 = arith.constant 2 : i32
      %add3A_299 = arith.addi %mul3A_297, %add3A_298 : i32
      %mul3A_300 = arith.constant 16 : i32
      %mul3A_301 = arith.muli %add3A_299, %mul3A_300 : i32
      %get3A_302 = arith.index_cast %mul3A_301 : i32 to index
      %get3A_303 = tpu.vector_load %arg19[%get3A_302] {strides = array<i32>} : memref<6272xf32, #tpu.memory_space<vmem>>, vector<16xf32>,
      %get3A_304 = vector.shape_cast %get3A_303 : vector<16xf32> to vector<16xf32>
      %get3A_305 = arith.index_cast %mul3A_301 : i32 to index
      %get3A_306 = tpu.vector_load %arg20[%get3A_305] {strides = array<i32>} : memref<6272xf32, #tpu.memory_space<vmem>>, vector<16xf32>,
      %get3A_307 = vector.shape_cast %get3A_306 : vector<16xf32> to vector<16xf32>
      %add3A_308 = arith.addf %get3A_304, %get3A_307 : vector<16xf32>
      %get3A_309 = arith.index_cast %mul3A_301 : i32 to index
      %get3A_310 = tpu.vector_load %arg21[%get3A_309] {strides = array<i32>} : memref<6272xf32, #tpu.memory_space<vmem>>, vector<16xf32>,
      %get3A_311 = vector.shape_cast %get3A_310 : vector<16xf32> to vector<16xf32>
      %add3A_312 = arith.addf %add3A_308, %get3A_311 : vector<16xf32>
      %swap3A_313 = arith.index_cast %mul3A_301 : i32 to index
      %swap3A_314 = tpu.vector_load %arg22[%swap3A_313] {strides = array<i32>} : memref<6272xf32, #tpu.memory_space<vmem>>, vector<16xf32>,
      %swap3A_315 = vector.shape_cast %swap3A_314 : vector<16xf32> to vector<16xf32>
      %swap3A_316 = vector.shape_cast %add3A_312 : vector<16xf32> to vector<16xf32>
      tpu.vector_store %arg22[%swap3A_313], %swap3A_316 {strides = array<i32>} : memref<6272xf32, #tpu.memory_space<vmem>>, vector<16xf32>,
      %mul3A_317 = arith.constant 4 : i32
      %mul3A_318 = arith.muli %scan3A_252, %mul3A_317 : i32
      %add3A_319 = arith.constant 3 : i32
      %add3A_320 = arith.addi %mul3A_318, %add3A_319 : i32
      %mul3A_321 = arith.constant 16 : i32
      %mul3A_322 = arith.muli %add3A_320, %mul3A_321 : i32
      %get3A_323 = arith.index_cast %mul3A_322 : i32 to index
      %get3A_324 = tpu.vector_load %arg19[%get3A_323] {strides = array<i32>} : memref<6272xf32, #tpu.memory_space<vmem>>, vector<16xf32>,
      %get3A_325 = vector.shape_cast %get3A_324 : vector<16xf32> to vector<16xf32>
      %get3A_326 = arith.index_cast %mul3A_322 : i32 to index
      %get3A_327 = tpu.vector_load %arg20[%get3A_326] {strides = array<i32>} : memref<6272xf32, #tpu.memory_space<vmem>>, vector<16xf32>,
      %get3A_328 = vector.shape_cast %get3A_327 : vector<16xf32> to vector<16xf32>
      %add3A_329 = arith.addf %get3A_325, %get3A_328 : vector<16xf32>
      %get3A_330 = arith.index_cast %mul3A_322 : i32 to index
      %get3A_331 = tpu.vector_load %arg21[%get3A_330] {strides = array<i32>} : memref<6272xf32, #tpu.memory_space<vmem>>, vector<16xf32>,
      %get3A_332 = vector.shape_cast %get3A_331 : vector<16xf32> to vector<16xf32>
      %add3A_333 = arith.addf %add3A_329, %get3A_332 : vector<16xf32>
      %swap3A_334 = arith.index_cast %mul3A_322 : i32 to index
      %swap3A_335 = tpu.vector_load %arg22[%swap3A_334] {strides = array<i32>} : memref<6272xf32, #tpu.memory_space<vmem>>, vector<16xf32>,
      %swap3A_336 = vector.shape_cast %swap3A_335 : vector<16xf32> to vector<16xf32>
      %swap3A_337 = vector.shape_cast %add3A_333 : vector<16xf32> to vector<16xf32>
      tpu.vector_store %arg22[%swap3A_334], %swap3A_337 {strides = array<i32>} : memref<6272xf32, #tpu.memory_space<vmem>>, vector<16xf32>,
      %scan3A_338 = arith.constant 0 : i32
      scf.yield %scan3A_338 : i32
    }
    %scan3A_198 = arith.constant 98 : i32
    %dma_start3A_199 = arith.constant 0 : i32
    %dma_start3A_200 = tpu.memref_slice %arg8[%dma_start3A_199] : memref<100096xf32, #tpu.memory_space<vmem_shared>> -> memref<100096xf32, #tpu.memory_space<vmem_shared>>
    tpu.enqueue_indirect_dma source(%arg22 : memref<6272xf32, #tpu.memory_space<vmem>>) target(%dma_start3A_200 : memref<100096xf32, #tpu.memory_space<vmem_shared>>) offsets(%arg16 : memref<6272xi32, #tpu.memory_space<vmem>>) semaphore(%arg27 : memref<!tpu.dma_semaphore, #tpu.memory_space<semaphore_mem>>) {add = true}
    %dma_start3A_201 = arith.constant 0 : i32
    %dma_start3A_202 = tpu.memref_slice %arg8[%dma_start3A_201] : memref<100096xf32, #tpu.memory_space<vmem_shared>> -> memref<100096xf32, #tpu.memory_space<vmem_shared>>
    tpu.enqueue_indirect_dma source(%arg22 : memref<6272xf32, #tpu.memory_space<vmem>>) target(%dma_start3A_202 : memref<100096xf32, #tpu.memory_space<vmem_shared>>) offsets(%arg17 : memref<6272xi32, #tpu.memory_space<vmem>>) semaphore(%arg27 : memref<!tpu.dma_semaphore, #tpu.memory_space<semaphore_mem>>) {add = true}
    %dma_start3A_203 = arith.constant 0 : i32
    %dma_start3A_204 = tpu.memref_slice %arg8[%dma_start3A_203] : memref<100096xf32, #tpu.memory_space<vmem_shared>> -> memref<100096xf32, #tpu.memory_space<vmem_shared>>
    tpu.enqueue_indirect_dma source(%arg22 : memref<6272xf32, #tpu.memory_space<vmem>>) target(%dma_start3A_204 : memref<100096xf32, #tpu.memory_space<vmem_shared>>) offsets(%arg18 : memref<6272xi32, #tpu.memory_space<vmem>>) semaphore(%arg27 : memref<!tpu.dma_semaphore, #tpu.memory_space<semaphore_mem>>) {add = true}
    %dma_wait3A_205 = arith.constant 0 : i32
    %dma_wait3A_206 = tpu.memref_slice %arg8[%dma_wait3A_205] : memref<100096xf32, #tpu.memory_space<vmem_shared>> -> memref<100096xf32, #tpu.memory_space<vmem_shared>>
    tpu.wait_indirect_dma semaphore(%arg27 : memref<!tpu.dma_semaphore, #tpu.memory_space<semaphore_mem>>) src(%arg22 : memref<6272xf32, #tpu.memory_space<vmem>>) dst(%dma_wait3A_206 : memref<100096xf32, #tpu.memory_space<vmem_shared>>)
    %dma_wait3A_207 = arith.constant 0 : i32
    %dma_wait3A_208 = tpu.memref_slice %arg8[%dma_wait3A_207] : memref<100096xf32, #tpu.memory_space<vmem_shared>> -> memref<100096xf32, #tpu.memory_space<vmem_shared>>
    tpu.wait_indirect_dma semaphore(%arg27 : memref<!tpu.dma_semaphore, #tpu.memory_space<semaphore_mem>>) src(%arg22 : memref<6272xf32, #tpu.memory_space<vmem>>) dst(%dma_wait3A_208 : memref<100096xf32, #tpu.memory_space<vmem_shared>>)
    %dma_wait3A_209 = arith.constant 0 : i32
    %dma_wait3A_210 = tpu.memref_slice %arg8[%dma_wait3A_209] : memref<100096xf32, #tpu.memory_space<vmem_shared>> -> memref<100096xf32, #tpu.memory_space<vmem_shared>>
    tpu.wait_indirect_dma semaphore(%arg27 : memref<!tpu.dma_semaphore, #tpu.memory_space<semaphore_mem>>) src(%arg22 : memref<6272xf32, #tpu.memory_space<vmem>>) dst(%dma_wait3A_210 : memref<100096xf32, #tpu.memory_space<vmem_shared>>)
    %dma_wait3A_211 = arith.constant 0 : i32
    %dma_wait3A_212 = tpu.memref_slice %arg9[%dma_wait3A_211] : memref<100096xf32, #tpu.memory_space<vmem_shared>> -> memref<100096xf32, #tpu.memory_space<vmem_shared>>
    tpu.wait_indirect_dma semaphore(%arg27 : memref<!tpu.dma_semaphore, #tpu.memory_space<semaphore_mem>>) src(%arg15 : memref<6272xf32, #tpu.memory_space<vmem>>) dst(%dma_wait3A_212 : memref<100096xf32, #tpu.memory_space<vmem_shared>>)
    %dma_wait3A_213 = arith.constant 0 : i32
    %dma_wait3A_214 = tpu.memref_slice %arg9[%dma_wait3A_213] : memref<100096xf32, #tpu.memory_space<vmem_shared>> -> memref<100096xf32, #tpu.memory_space<vmem_shared>>
    tpu.wait_indirect_dma semaphore(%arg27 : memref<!tpu.dma_semaphore, #tpu.memory_space<semaphore_mem>>) src(%arg15 : memref<6272xf32, #tpu.memory_space<vmem>>) dst(%dma_wait3A_214 : memref<100096xf32, #tpu.memory_space<vmem_shared>>)
    %dma_wait3A_215 = arith.constant 0 : i32
    %dma_wait3A_216 = tpu.memref_slice %arg9[%dma_wait3A_215] : memref<100096xf32, #tpu.memory_space<vmem_shared>> -> memref<100096xf32, #tpu.memory_space<vmem_shared>>
    tpu.wait_indirect_dma semaphore(%arg27 : memref<!tpu.dma_semaphore, #tpu.memory_space<semaphore_mem>>) src(%arg15 : memref<6272xf32, #tpu.memory_space<vmem>>) dst(%dma_wait3A_216 : memref<100096xf32, #tpu.memory_space<vmem_shared>>)
    %barrier3A_217 = arith.constant 0 : index
    tpu.barrier barrier_id(%barrier3A_217)
    %dma_start3A_218 = tpu.memref_slice %arg8[%mul3A_2] : memref<100096xf32, #tpu.memory_space<vmem_shared>> -> memref<6256xf32, #tpu.memory_space<vmem_shared>>
    %dma_start3A_219 = tpu.memref_slice %arg8[%mul3A_2] : memref<100096xf32, #tpu.memory_space<vmem_shared>> -> memref<6256xf32, #tpu.memory_space<vmem_shared>>
    tpu.enqueue_dma source(%dma_start3A_219 : memref<6256xf32, #tpu.memory_space<vmem_shared>>) target(%arg10 : memref<6256xf32, #tpu.memory_space<vmem>>) target_semaphore(%arg26 : memref<!tpu.dma_semaphore, #tpu.memory_space<semaphore_mem>>)
    %dma_start3A_220 = tpu.memref_slice %arg9[%mul3A_2] : memref<100096xf32, #tpu.memory_space<vmem_shared>> -> memref<6256xf32, #tpu.memory_space<vmem_shared>>
    %dma_start3A_221 = tpu.memref_slice %arg9[%mul3A_2] : memref<100096xf32, #tpu.memory_space<vmem_shared>> -> memref<6256xf32, #tpu.memory_space<vmem_shared>>
    tpu.enqueue_dma source(%dma_start3A_221 : memref<6256xf32, #tpu.memory_space<vmem_shared>>) target(%arg11 : memref<6256xf32, #tpu.memory_space<vmem>>) target_semaphore(%arg26 : memref<!tpu.dma_semaphore, #tpu.memory_space<semaphore_mem>>)
    %dma_wait3A_222 = tpu.memref_slice %arg8[%mul3A_2] : memref<100096xf32, #tpu.memory_space<vmem_shared>> -> memref<6256xf32, #tpu.memory_space<vmem_shared>>
    %dma_wait3A_223 = tpu.memref_slice %arg8[%mul3A_2] : memref<100096xf32, #tpu.memory_space<vmem_shared>> -> memref<6256xf32, #tpu.memory_space<vmem_shared>>
    tpu.wait_dma2 semaphore(%arg26 : memref<!tpu.dma_semaphore, #tpu.memory_space<semaphore_mem>>) src(%dma_wait3A_223 : memref<6256xf32, #tpu.memory_space<vmem_shared>>) dst(%arg10 : memref<6256xf32, #tpu.memory_space<vmem>>)
    %dma_start3A_224 = arith.constant 0 : i32
    %dma_start3A_225 = tpu.memref_slice %arg4[%arg0, %arg1, %dma_start3A_224] : memref<2x16x6256xf32, #tpu.memory_space<hbm>> -> memref<1x1x6256xf32, #tpu.memory_space<hbm>>
    %dma_start3A_226 = tpu.memref_squeeze %dma_start3A_225 : memref<1x1x6256xf32, #tpu.memory_space<hbm>> -> memref<6256xf32, #tpu.memory_space<hbm>>
    %dma_start3A_227 = arith.constant 0 : i32
    %dma_start3A_228 = tpu.memref_slice %arg4[%arg0, %arg1, %dma_start3A_227] : memref<2x16x6256xf32, #tpu.memory_space<hbm>> -> memref<1x1x6256xf32, #tpu.memory_space<hbm>>
    %dma_start3A_229 = tpu.memref_squeeze %dma_start3A_228 : memref<1x1x6256xf32, #tpu.memory_space<hbm>> -> memref<6256xf32, #tpu.memory_space<hbm>>
    tpu.enqueue_dma source(%arg10 : memref<6256xf32, #tpu.memory_space<vmem>>) target(%dma_start3A_229 : memref<6256xf32, #tpu.memory_space<hbm>>) target_semaphore(%arg27 : memref<!tpu.dma_semaphore, #tpu.memory_space<semaphore_mem>>)
    %dma_wait3A_230 = tpu.memref_slice %arg9[%mul3A_2] : memref<100096xf32, #tpu.memory_space<vmem_shared>> -> memref<6256xf32, #tpu.memory_space<vmem_shared>>
    %dma_wait3A_231 = tpu.memref_slice %arg9[%mul3A_2] : memref<100096xf32, #tpu.memory_space<vmem_shared>> -> memref<6256xf32, #tpu.memory_space<vmem_shared>>
    tpu.wait_dma2 semaphore(%arg26 : memref<!tpu.dma_semaphore, #tpu.memory_space<semaphore_mem>>) src(%dma_wait3A_231 : memref<6256xf32, #tpu.memory_space<vmem_shared>>) dst(%arg11 : memref<6256xf32, #tpu.memory_space<vmem>>)
    %dma_start3A_232 = arith.constant 0 : i32
    %dma_start3A_233 = tpu.memref_slice %arg5[%arg0, %arg1, %dma_start3A_232] : memref<2x16x6256xf32, #tpu.memory_space<hbm>> -> memref<1x1x6256xf32, #tpu.memory_space<hbm>>
    %dma_start3A_234 = tpu.memref_squeeze %dma_start3A_233 : memref<1x1x6256xf32, #tpu.memory_space<hbm>> -> memref<6256xf32, #tpu.memory_space<hbm>>
    %dma_start3A_235 = arith.constant 0 : i32
    %dma_start3A_236 = tpu.memref_slice %arg5[%arg0, %arg1, %dma_start3A_235] : memref<2x16x6256xf32, #tpu.memory_space<hbm>> -> memref<1x1x6256xf32, #tpu.memory_space<hbm>>
    %dma_start3A_237 = tpu.memref_squeeze %dma_start3A_236 : memref<1x1x6256xf32, #tpu.memory_space<hbm>> -> memref<6256xf32, #tpu.memory_space<hbm>>
    tpu.enqueue_dma source(%arg11 : memref<6256xf32, #tpu.memory_space<vmem>>) target(%dma_start3A_237 : memref<6256xf32, #tpu.memory_space<hbm>>) target_semaphore(%arg27 : memref<!tpu.dma_semaphore, #tpu.memory_space<semaphore_mem>>)
    %dma_wait3A_238 = arith.constant 0 : i32
    %dma_wait3A_239 = tpu.memref_slice %arg4[%arg0, %arg1, %dma_wait3A_238] : memref<2x16x6256xf32, #tpu.memory_space<hbm>> -> memref<1x1x6256xf32, #tpu.memory_space<hbm>>
    %dma_wait3A_240 = tpu.memref_squeeze %dma_wait3A_239 : memref<1x1x6256xf32, #tpu.memory_space<hbm>> -> memref<6256xf32, #tpu.memory_space<hbm>>
    %dma_wait3A_241 = arith.constant 0 : i32
    %dma_wait3A_242 = tpu.memref_slice %arg4[%arg0, %arg1, %dma_wait3A_241] : memref<2x16x6256xf32, #tpu.memory_space<hbm>> -> memref<1x1x6256xf32, #tpu.memory_space<hbm>>
    %dma_wait3A_243 = tpu.memref_squeeze %dma_wait3A_242 : memref<1x1x6256xf32, #tpu.memory_space<hbm>> -> memref<6256xf32, #tpu.memory_space<hbm>>
    tpu.wait_dma2 semaphore(%arg27 : memref<!tpu.dma_semaphore, #tpu.memory_space<semaphore_mem>>) src(%arg10 : memref<6256xf32, #tpu.memory_space<vmem>>) dst(%dma_wait3A_243 : memref<6256xf32, #tpu.memory_space<hbm>>)
    %dma_wait3A_244 = arith.constant 0 : i32
    %dma_wait3A_245 = tpu.memref_slice %arg5[%arg0, %arg1, %dma_wait3A_244] : memref<2x16x6256xf32, #tpu.memory_space<hbm>> -> memref<1x1x6256xf32, #tpu.memory_space<hbm>>
    %dma_wait3A_246 = tpu.memref_squeeze %dma_wait3A_245 : memref<1x1x6256xf32, #tpu.memory_space<hbm>> -> memref<6256xf32, #tpu.memory_space<hbm>>
    %dma_wait3A_247 = arith.constant 0 : i32
    %dma_wait3A_248 = tpu.memref_slice %arg5[%arg0, %arg1, %dma_wait3A_247] : memref<2x16x6256xf32, #tpu.memory_space<hbm>> -> memref<1x1x6256xf32, #tpu.memory_space<hbm>>
    %dma_wait3A_249 = tpu.memref_squeeze %dma_wait3A_248 : memref<1x1x6256xf32, #tpu.memory_space<hbm>> -> memref<6256xf32, #tpu.memory_space<hbm>>
    tpu.wait_dma2 semaphore(%arg27 : memref<!tpu.dma_semaphore, #tpu.memory_space<semaphore_mem>>) src(%arg11 : memref<6256xf32, #tpu.memory_space<vmem>>) dst(%dma_wait3A_249 : memref<6256xf32, #tpu.memory_space<hbm>>)
    %eq3A = arith.constant 0 : i32
    %eq3A_250 = arith.cmpi eq, %arg0, %eq3A : i32
    %convert_element_type3A = arith.extui %eq3A_250 : i1 to i32
    %cond3A = arith.constant 0 : i32
    %cond3A_251 = arith.cmpi ne, %convert_element_type3A, %cond3A : i32
    scf.if %cond3A_251 {
      "tpu.region"() ({
        %run_scoped3A = tpu.sem_alloc : memref<!tpu.dma_semaphore, #tpu.memory_space<semaphore_mem>>
        %dma_start3A_252 = arith.constant 0 : i32
        %dma_start3A_253 = tpu.memref_slice %arg6[%arg1, %dma_start3A_252] : memref<16x6256xf32, #tpu.memory_space<hbm>> -> memref<1x6256xf32, #tpu.memory_space<hbm>>
        %dma_start3A_254 = tpu.memref_squeeze %dma_start3A_253 : memref<1x6256xf32, #tpu.memory_space<hbm>> -> memref<6256xf32, #tpu.memory_space<hbm>>
        %dma_start3A_255 = arith.constant 0 : i32
        %dma_start3A_256 = tpu.memref_slice %arg6[%arg1, %dma_start3A_255] : memref<16x6256xf32, #tpu.memory_space<hbm>> -> memref<1x6256xf32, #tpu.memory_space<hbm>>
        %dma_start3A_257 = tpu.memref_squeeze %dma_start3A_256 : memref<1x6256xf32, #tpu.memory_space<hbm>> -> memref<6256xf32, #tpu.memory_space<hbm>>
        tpu.enqueue_dma source(%arg13 : memref<6256xf32, #tpu.memory_space<vmem>>) target(%dma_start3A_257 : memref<6256xf32, #tpu.memory_space<hbm>>) target_semaphore(%run_scoped3A : memref<!tpu.dma_semaphore, #tpu.memory_space<semaphore_mem>>)
        %dma_wait3A_258 = arith.constant 0 : i32
        %dma_wait3A_259 = tpu.memref_slice %arg6[%arg1, %dma_wait3A_258] : memref<16x6256xf32, #tpu.memory_space<hbm>> -> memref<1x6256xf32, #tpu.memory_space<hbm>>
        %dma_wait3A_260 = tpu.memref_squeeze %dma_wait3A_259 : memref<1x6256xf32, #tpu.memory_space<hbm>> -> memref<6256xf32, #tpu.memory_space<hbm>>
        %dma_wait3A_261 = arith.constant 0 : i32
        %dma_wait3A_262 = tpu.memref_slice %arg6[%arg1, %dma_wait3A_261] : memref<16x6256xf32, #tpu.memory_space<hbm>> -> memref<1x6256xf32, #tpu.memory_space<hbm>>
        %dma_wait3A_263 = tpu.memref_squeeze %dma_wait3A_262 : memref<1x6256xf32, #tpu.memory_space<hbm>> -> memref<6256xf32, #tpu.memory_space<hbm>>
        tpu.wait_dma2 semaphore(%run_scoped3A : memref<!tpu.dma_semaphore, #tpu.memory_space<semaphore_mem>>) src(%arg13 : memref<6256xf32, #tpu.memory_space<vmem>>) dst(%dma_wait3A_263 : memref<6256xf32, #tpu.memory_space<hbm>>)
        tpu.yield
      }) : () -> ()
    } else {
    }
    return
  }
}

module attributes {stable_mosaic.version = 14 : i64} {
  func.func @_finalize_body(%arg0: memref<2x16x6256xf32, #tpu.memory_space<vmem>>, %arg1: memref<2x16x6256xf32, #tpu.memory_space<vmem>>, %arg2: memref<16x6256xf32, #tpu.memory_space<vmem>>, %arg3: memref<1x1xf32, #tpu.memory_space<vmem>>) attributes {dimension_semantics = [], scalar_prefetch = 0 : i64, scratch_operands = 0 : i64, tpu.core_type = #tpu.core_type<tc>} {
    %get3A = arith.constant 0 : index
    %get3A_0 = arith.constant 0 : index
    %get3A_1 = arith.constant 0 : index
    %get3A_2 = vector.load %arg0[%get3A, %get3A_0, %get3A_1] : memref<2x16x6256xf32, #tpu.memory_space<vmem>>, vector<1x16x6256xf32>
    %get3A_3 = vector.shape_cast %get3A_2 : vector<1x16x6256xf32> to vector<16x6256xf32>
    %get3A_4 = arith.constant 1 : index
    %get3A_5 = arith.constant 0 : index
    %get3A_6 = arith.constant 0 : index
    %get3A_7 = vector.load %arg0[%get3A_4, %get3A_5, %get3A_6] : memref<2x16x6256xf32, #tpu.memory_space<vmem>>, vector<1x16x6256xf32>
    %get3A_8 = vector.shape_cast %get3A_7 : vector<1x16x6256xf32> to vector<16x6256xf32>
    %add3A = arith.addf %get3A_3, %get3A_8 : vector<16x6256xf32>
    %get3A_9 = arith.constant 0 : index
    %get3A_10 = arith.constant 0 : index
    %get3A_11 = arith.constant 0 : index
    %get3A_12 = vector.load %arg1[%get3A_9, %get3A_10, %get3A_11] : memref<2x16x6256xf32, #tpu.memory_space<vmem>>, vector<1x16x6256xf32>
    %get3A_13 = vector.shape_cast %get3A_12 : vector<1x16x6256xf32> to vector<16x6256xf32>
    %get3A_14 = arith.constant 1 : index
    %get3A_15 = arith.constant 0 : index
    %get3A_16 = arith.constant 0 : index
    %get3A_17 = vector.load %arg1[%get3A_14, %get3A_15, %get3A_16] : memref<2x16x6256xf32, #tpu.memory_space<vmem>>, vector<1x16x6256xf32>
    %get3A_18 = vector.shape_cast %get3A_17 : vector<1x16x6256xf32> to vector<16x6256xf32>
    %add3A_19 = arith.addf %get3A_13, %get3A_18 : vector<16x6256xf32>
    %get3A_20 = arith.constant 0 : index
    %get3A_21 = arith.constant 0 : index
    %get3A_22 = vector.load %arg2[%get3A_20, %get3A_21] : memref<16x6256xf32, #tpu.memory_space<vmem>>, vector<16x6256xf32>
    %mul3A = arith.constant 2.000000e+00 : f32
    %mul3A_23 = vector.broadcast %mul3A : f32 to vector<16x6256xf32>
    %mul3A_24 = arith.mulf %mul3A_23, %add3A_19 : vector<16x6256xf32>
    %max3A = arith.constant 1.000000e+00 : f32
    %max3A_25 = vector.broadcast %max3A : f32 to vector<16x6256xf32>
    %max3A_26 = arith.maximumf %mul3A_24, %max3A_25 : vector<16x6256xf32>
    %mul3A_27 = arith.mulf %add3A_19, %get3A_22 : vector<16x6256xf32>
    %sub3A = arith.subf %add3A, %mul3A_27 : vector<16x6256xf32>
    %div3A = arith.divf %sub3A, %max3A_26 : vector<16x6256xf32>
    %reduce_sum3A = vector.shape_cast %get3A_22 : vector<16x6256xf32> to vector<1x16x6256xf32>
    %reduce_sum3A_28 = arith.constant dense<0.000000e+00> : vector<1xf32>
    %reduce_sum3A_29 = vector.multi_reduction <add>, %reduce_sum3A, %reduce_sum3A_28 [1, 2] : vector<1x16x6256xf32> to vector<1xf32>
    %reduce_sum3A_30 = vector.shape_cast %reduce_sum3A_29 : vector<1xf32> to vector<1x1x1xf32>
    %reduce_sum3A_31 = vector.extract %reduce_sum3A_30[0, 0, 0] : f32 from vector<1x1x1xf32>
    %reduce_sum3A_32 = vector.shape_cast %div3A : vector<16x6256xf32> to vector<1x16x6256xf32>
    %reduce_sum3A_33 = arith.constant dense<0.000000e+00> : vector<1xf32>
    %reduce_sum3A_34 = vector.multi_reduction <add>, %reduce_sum3A_32, %reduce_sum3A_33 [1, 2] : vector<1x16x6256xf32> to vector<1xf32>
    %reduce_sum3A_35 = vector.shape_cast %reduce_sum3A_34 : vector<1xf32> to vector<1x1x1xf32>
    %reduce_sum3A_36 = vector.extract %reduce_sum3A_35[0, 0, 0] : f32 from vector<1x1x1xf32>
    %sub3A_37 = arith.subf %reduce_sum3A_31, %reduce_sum3A_36 : f32
    %div3A_38 = arith.constant 3.000000e+05 : f32
    %div3A_39 = arith.divf %sub3A_37, %div3A_38 : f32
    %broadcast_in_dim3A = vector.broadcast %div3A_39 : f32 to vector<1x1xf32>
    %swap3A = arith.constant 0 : index
    %swap3A_40 = arith.constant 0 : index
    %swap3A_41 = vector.load %arg3[%swap3A, %swap3A_40] : memref<1x1xf32, #tpu.memory_space<vmem>>, vector<1x1xf32>
    tpu.vector_store %arg3[%swap3A, %swap3A_40], %broadcast_in_dim3A {strides = array<i32>} : memref<1x1xf32, #tpu.memory_space<vmem>>, vector<1x1xf32>,
    return
  }
}

</mosaic_0001>

<sc_bundles>
// kernel: kernel.4.cloned.1.call-start
scs
__scs_entry_jumppad:
0x0: {  	(pc) =	sbr.rel $0x88, $3  }
0x1: {  	(tag) =	ssettag $0x0;
	lr =	simm.s32 $0x1  }
0x2: {  	[smem:$0x3F9F] =	sst lr;
	_ =	strace $0xD0000000  }
0x3: {  	_ = 	snop  }
0x4: {  	_ = 	snop  }
0x5: {  	_ = 	snop  }
0x6: {  	_ = 	snop  }
0x7: {  	_ = 	snop  }
__scs_overlays_trampoline_lowered:
0x8: {  	[smem:$0x3FAE] =	sst s0  }
0x9: {  	[smem:$0x3FAF] =	sst s1  }
0xa: {  	[smem:$0x3FB0] =	sst s2  }
0xb: {  	[smem:$0x3FB1] =	sst s3  }
0xc: {  	[smem:$0x3FB2] =	sst s4  }
0xd: {  	[smem:$0x3FB3] =	sst s5  }
0xe: {  	[smem:$0x3FB4] =	sst s6  }
0xf: {  	[smem:$0x3FB5] =	sst s7  }
0x10: {  	[smem:$0x3FB6] =	sst s8  }
0x11: {  	[smem:$0x3FB7] =	sst s9;
	s0 =	simm.s32 @!p0 $0x0  }
0x12: {  	s1 =	sld [smem:$0x3F9D];
	s0 =	simm.s32 @p0 $0x1  }
0x13: {  	[smem:$0x3FB8] =	sst s0;
	s0 =	simm.s32 @!p1 $0x0  }
0x14: {  	s2 =	sld [smem:$0x3F9C];
	s0 =	simm.s32 @p1 $0x1  }
0x15: {  	[smem:$0x3FB9] =	sst s0;
	s0 =	simm.s32 @!p2 $0x0  }
0x16: {  	s3 =	sld [smem:$0x3FDB];
	s0 =	simm.s32 @p2 $0x1  }
0x17: {  	s4 =	simm.s32 $0x1BF5;
	[smem:$0x3FBB] =	sst s0  }
0x18: {  	s0 =	sld [smem:$0x3F9E];
	_ =	swait.ge [sflag:s4], $0x0  }
0x19: {  	s7 =	sld [smem:$0x3F9F]  }
0x1a: {  	s8 =	sadd.s32 $0xFFFFE003, lr  }
0x1b: {  	s9 =	sadd.s32 $0xFFFFFEF7, lr;
	s5 =	simm.s32 $0xFFFFFFFF;
	p2 =	slt.u32 s8, $0xFFFFF086  }
0x1c: {  	p1 =	slt.u32 s9, $0xF7A;
	s5 =	simm.s32 @!p2 $0x0  }
0x1d: {  	s5 =	simm.s32 @p1 $0x1;
	p0 =	seq.s32 s7, s2  }
0x1e: {  	s7 =	smul.u32 @!p0 $0xF7A, s2;
	p2 =	seq.s32 @!p0 s5, $0x0  }
0x1f: {  	s9 =	smul.u32 $0xF7A, s1;
	s8 =	simm.s32 @!p0 $0x1BF5;
	p2 =	por !p2, p0  }
0x20: {  	[sflag:s8] =	ssyncset.s32 @!p0 $0xFFFFF086;
	s6 =	sadd.s32 @!p0 s3, s7;
	s7 =	simm.s32 @!p0 $0x108  }
0x21: {  	s3 =	sadd.s32 s3, s9;
	s6 =	sadd.s32 @!p0 $0x88, s6;
	s7 =	simm.s32 @p2 $0x1082  }
0x22: {  	[simem:s7], [sflag:s8] =	dma.local @!p0 [hbm:s6], $0xF7A  }
0x23: {  	s9 =	sor.u32 $0xD0000000, s2;
	s6 =	simm.s32 $0x108;
	_ =	swait.ge @!p0 [sflag:s8], $0x0  }
0x24: {  	s3 =	sadd.s32 $0x88, s3;
	s6 =	simm.s32 @!p1 $0x1082;
	[sflag:s4] =	ssyncset.s32 $0xFFFFF086  }
0x25: {  	[simem:s6], [sflag:s4] =	dma.local [hbm:s3], $0xF7A  }
0x26: {  	[smem:$0x3F9F] =	sst s1;
	(tag) =	ssettag s2;
	_ =	strace s9  }
0x27: {  	s1 =	sld [smem:$0x3FAF]  }
0x28: {  	s2 =	sld [smem:$0x3FB0]  }
0x29: {  	s4 =	sld [smem:$0x3FB2]  }
0x2a: {  	p0 =	seq.s32 s5, $0x0;
	s5 =	sld [smem:$0x3FB3]  }
0x2b: {  	s6 =	sld [smem:$0x3FB4]  }
0x2c: {  	s7 =	sld [smem:$0x3FB5]  }
0x2d: {  	s3 =	simm.s32 $0x108;
	s8 =	sld [smem:$0x3FB6]  }
0x2e: {  	s3 =	simm.s32 @!p0 $0x1082;
	s9 =	sld [smem:$0x3FB7]  }
0x2f: {  	lr =	sadd.s32 s0, s3;
	s0 =	sld [smem:$0x3FAE]  }
0x30: {  	s3 =	sld [smem:$0x3FB1]  }
0x31: {  	[smem:$0x3FBA] =	sst s10  }
0x32: {  	s10 =	sld [smem:$0x3FB8];
	_ =	sdelay $0x3  }
0x33: {  	p0 =	seq.s32 s10, $0x1;
	s10 =	sld [smem:$0x3FBA];
	_ =	sdelay $0x3  }
0x34: {  	[smem:$0x3FBA] =	sst s10  }
0x35: {  	s10 =	sld [smem:$0x3FB9];
	_ =	sdelay $0x3  }
0x36: {  	p1 =	seq.s32 s10, $0x1;
	s10 =	sld [smem:$0x3FBA];
	_ =	sdelay $0x3  }
0x37: {  	[smem:$0x3FBA] =	sst s10  }
0x38: {  	s10 =	sld [smem:$0x3FBB]  }
0x39: {  	_ = 	snop;
	(pc) =	sbr.ind lr, $3  }
0x3a: {  	_ = 	snop  }
0x3b: {  	_ = 	snop  }
0x3c: {  	p2 =	seq.s32 s10, $0x1;
	s10 =	sld [smem:$0x3FBA]  }
0x3d: {  	_ =	shalt  }
0x3e: {  	_ =	shalt  }
0x3f: {  	_ =	shalt  }
0x40: {  	_ =	shalt  }
0x41: {  	_ =	shalt  }
0x42: {  	_ =	shalt  }
0x43: {  	_ =	shalt  }
0x44: {  	_ =	shalt  }
0x45: {  	_ =	shalt  }
0x46: {  	_ =	shalt  }
0x47: {  	_ =	shalt  }
0x48: {  	_ =	shalt  }
0x49: {  	_ =	shalt  }
0x4a: {  	_ =	shalt  }
0x4b: {  	_ =	shalt  }
0x4c: {  	_ =	shalt  }
0x4d: {  	_ =	shalt  }
0x4e: {  	_ =	shalt  }
0x4f: {  	_ =	shalt  }
0x50: {  	_ =	shalt  }
0x51: {  	_ =	shalt  }
0x52: {  	_ =	shalt  }
0x53: {  	_ =	shalt  }
0x54: {  	_ =	shalt  }
0x55: {  	_ =	shalt  }
0x56: {  	_ =	shalt  }
0x57: {  	_ =	shalt  }
0x58: {  	_ =	shalt  }
0x59: {  	_ =	shalt  }
0x5a: {  	_ =	shalt  }
0x5b: {  	_ =	shalt  }
0x5c: {  	_ =	shalt  }
0x5d: {  	_ =	shalt  }
0x5e: {  	_ =	shalt  }
0x5f: {  	_ =	shalt  }
0x60: {  	_ =	shalt  }
0x61: {  	_ =	shalt  }
0x62: {  	_ =	shalt  }
0x63: {  	_ =	shalt  }
0x64: {  	_ =	shalt  }
0x65: {  	_ =	shalt  }
0x66: {  	_ =	shalt  }
0x67: {  	_ =	shalt  }
0x68: {  	_ =	shalt  }
0x69: {  	_ =	shalt  }
0x6a: {  	_ =	shalt  }
0x6b: {  	_ =	shalt  }
0x6c: {  	_ =	shalt  }
0x6d: {  	_ =	shalt  }
0x6e: {  	_ =	shalt  }
0x6f: {  	_ =	shalt  }
0x70: {  	_ =	shalt  }
0x71: {  	_ =	shalt  }
0x72: {  	_ =	shalt  }
0x73: {  	_ =	shalt  }
0x74: {  	_ =	shalt  }
0x75: {  	_ =	shalt  }
0x76: {  	_ =	shalt  }
0x77: {  	_ =	shalt  }
0x78: {  	_ =	shalt  }
0x79: {  	_ =	shalt  }
0x7a: {  	_ =	shalt  }
0x7b: {  	_ =	shalt  }
0x7c: {  	_ =	shalt  }
0x7d: {  	_ =	shalt  }
0x7e: {  	_ =	shalt  }
0x7f: {  	_ =	shalt  }
0x80: {  	_ =	shalt  }
0x81: {  	_ =	shalt  }
0x82: {  	_ =	shalt  }
0x83: {  	_ =	shalt  }
0x84: {  	_ =	shalt  }
0x85: {  	_ =	shalt  }
0x86: {  	_ =	shalt  }
0x87: {  	_ =	shalt  }
.Lfunc_end0:
.L_simem_size_0:
called_computation_lowered:
.L_overlay_start_0:
0x88: {  	s2 =	sld [smem:$0x3FD9]  }
0x89: {  	s3 =	sld [smem:$0x3FFE];
	_ =	sdelay $0x1  }
0x8a: {  	s1 =	srdreg.scid  }
0x8b: {  	s0 =	sand.u32 $0x1, s1  }
0x8c: {  	s16 =	sshll.u32 s0, $0xA;
	s2 =	sadd.s32 s3, s2  }
0x8d: {  	s2 =	sadd.s32 s2, s16  }
0x8e: {  	[smem:$0x3FC6] =	sst s2  }
0x8f: {  	_ = 	snop  }
0x90: {  	(tm) =	ssettm $0x1  }
0x91: {  	s17 =	sld [smem:$0x3FFB];
	_ =	sdelay $0x3  }
0x92: {  	_ =	strace s17  }
0x93: {  	s2 =	sld [smem:$0x3FFC];
	_ =	sdelay $0x3  }
0x94: {  	_ =	strace s2  }
0x95: {  	s2 =	sld [smem:$0x3FFD];
	_ =	sdelay $0x3  }
0x96: {  	_ =	strace s2  }
0x97: {  	_ =	strace $0x8FFFFFFF  }
0x98: {  	s18 =	sld [smem:$0x3FDB];
	_ =	sdelay $0x1  }
0x99: {  	s19 =	simm.s32 $_scs_section_size  }
0x9a: {  	s4 =	simm.s32 $_size__tile_overlayer_lowered;
	s5 =	simm.s32 $_tile_overlayer_lowered  }
0x9b: {  	s22 =	simm.s32 $0x1BFF;
	s21 =	sshll.u32 s5, $0x1;
	s2 =	sadd.s32 s19, s18  }
0x9c: {  	s6 =	simm.s32 $0x0;
	s20 =	sshll.u32 s4, $0x1;
	s4 =	sadd.s32 s21, s2  }
0x9d: {  	[timem:s6], [sflag:s22] =	dma.local [hbm:s4], s20  }
0x9e: {  	_ =	swait.ge [sflag:s22], s20  }
0x9f: {  	s3 =	ssub.s32 $0x0, s20;
	[sflag:s22] =	ssyncset.done $0x0  }
0xa0: {  	[sflag:s22] =	ssyncadd.s32 s3;
	_ =	sdelay $0x1  }
0xa1: {  	s23 =	simm.s32 $0x1B8B  }
0xa2: {  	_ =	swait.ge [sflag:s23], $0x1  }
0xa3: {  	[sflag:s23] =	ssyncset.done $0x0  }
0xa4: {  	s25 =	simm.s32 $0x1B8E;
	s24 =	sld [smem:$0x3FFE];
	[sflag:s23] =	ssyncadd.s32 $0xFFFFFFFF  }
0xa5: {  	s26 =	simm.s32 $execute0_lowered;
	[smem:$0x3FD2] =	sst s25  }
0xa6: {  	s4 =	sshll.u32 s26, $0x1;
	_ =	strace $0x80000046;
	[dreg:$0x1] =	wrdreg $0xFFFFFFFF  }
0xa7: {  	s28 =	simm.s32 $_size_execute0_lowered;
	s2 =	sadd.s32 s2, s4;
	[dreg:$0x0] =	wrdreg $0x0  }
0xa8: {  	s4 =	sshll.u32 s28, $0x1;
	[dreg:$0x2] =	wrdreg s2  }
0xa9: {  	[dreg:$0x3] =	wrdreg s4  }
0xaa: {  	[dreg:$0x4] =	wrdreg $0xC0  }
0xab: {  	_ =	task [dreg:s6], $0x5FFFF  }
0xac: {  	[dreg:$0x1] =	wrdreg $0xFFFFFFFF  }
0xad: {  	[dreg:$0x0] =	wrdreg $0x60  }
0xae: {  	[dreg:$0x2] =	wrdreg s24  }
0xaf: {  	[dreg:$0x3] =	wrdreg $0x0  }
0xb0: {  	[dreg:$0x4] =	wrdreg $0x18700  }
0xb1: {  	[dreg:$0x5] =	wrdreg $0x30E00  }
0xb2: {  	[dreg:$0x6] =	wrdreg $0x9  }
0xb3: {  	_ =	task.clear_ibuf [dreg:s6], $0x7FFFF;
	_ =	strace $0x90000046  }
0xb4: {  	s29 =	simm.s32 $0x9;
	_ =	strace $0x80000048  }
0xb5: {  	_ =	swait.ge [sflag:s29], $0x1  }
0xb6: {  	[sflag:s29] =	ssyncadd.s32 $0xFFFFFFFF  }
0xb7: {  	_ =	strace $0x90000048  }
0xb8: {  	_ =	sfence  }
0xb9: {  	s30 =	sld [smem:$0x0];
	_ =	sdelay $0x2  }
0xba: {  	s31 =	sshll.u32 s1, $0xD;
	s1 =	sshrl.u32 s1, $0x2  }
0xbb: {  	s3 =	sand.u32 $0x4000, s31;
	s1 =	sadd.s32 s1, s30  }
0xbc: {  	s0 =	sor.u32 s3, s0;
	s1 =	sshll.u32 s1, $0x11  }
0xbd: {  	s0 =	sor.u32 s1, s0  }
0xbe: {  	s0 =	sadd.s32 $0x8F2B, s0  }
0xbf: {  	[sflag:s0] =	ssyncadd.remote.s32 $0x1  }
0xc0: {  	_ =	sfence.sel $0xFFFF  }
0xc1: {  	[dreg:$0x0] =	wrdreg $0xFFFFFFFF;
	(pc) =	sbr.abs _section_cstart, $3  }
0xc2: {  	[dreg:$0x1] =	wrdreg $0xFFFFFFFF  }
0xc3: {  	_ =	task.clear_ibuf [dreg:s6], $0x2FFFF;
	_ =	strace $0x9FFFFFFF  }
0xc4: {  	(tm) =	ssettm $0x7FFFFFFF  }
0xc5: {  	_ =	shalt  }
tec
execute0_lowered:
.L_overlay_start_1:
0x0: {  	(tag) =	ssettag $0x1  }
0x1: {  	s1 =	rddreg [dreg:$0x0]  }
0x2: {  	s2 =	rddreg [dreg:$0x1]  }
0x3: {  	s3 =	rddreg [dreg:$0x2]  }
0x4: {  	s4 =	rddreg [dreg:$0x3]  }
0x5: {  	s16 =	stileid.u32;
	s0 =	srdreg.scid  }
0x6: {  	s5 =	simm.s32 $0x0;
	s28 =	simm.s32 $0x2;
	s30 =	simm.s32 $0xAB50  }
0x7: {  	s31 =	simm.s32 $0x1;
	s29 =	simm.s32 $0xC3D0;
	s6 =	sshrl.u32 s16, $0x3  }
0x8: {  	s0 =	sand.u32 $0x1, s0;
	[smem:$0x7FF] =	sst s5;
	s19 =	smul.u32 $0x1870, s16  }
0x9: {  	s8 =	sadd.s32 $0x13600, s1;
	s9 =	sshll.u32 s16, $0x7;
	s6 =	smul.u32 $0xC400, s6  }
0xa: {  	s11 =	sadd.s32 $0x1000, s1;
	s7 =	smul.u32 $0x18800, s0;
	_ =	strace $0x80000047  }
0xb: {  	s9 =	sand.u32 $0x380, s9;
	s10 =	sshll.u32 s0, $0x4;
	s13 =	ssub.s32 $0x2, s0  }
0xc: {  	p0 =	sne.s32 s0, $0x0;
	s0 =	simm.s32 $0x3;
	s10 =	sor.u32 s16, s10  }
0xd: {  	s14 =	sshrl.u32 s13, $0x1;
	s7 =	sadd.s32 s7, s6;
	s26 =	smul.u32 $0x3, s10  }
0xe: {  	s6 =	sor.u32 s9, s6;
	s10 =	smul.u32 $0x180, s10;
	s18 =	ssub.s32 s13, s14  }
0xf: {  	s14 =	sadd.s32 s19, s4;
	s7 =	sor.u32 s9, s7;
	s12 =	sshrl.u32 s6, $0x3  }
0x10: {  	s24 =	sadd.s32 $0x18800, s6;
	s6 =	sadd.s32 $0x31000, s6;
	s18 =	smax.u32 s18, $0x1  }
0x11: {  	s7 =	sshrl.u32 s7, $0x3;
	s15 =	sshrl.u32 s26, $0x3;
	s10 =	sand.u32 $0x380, s10  }
0x12: {  	s20 =	sadd.s32 $0x1, s26;
	s9 =	sadd.s32 $0x2, s26;
	s25 =	sshrl.u32 s24, $0x3  }
0x13: {  	s26 =	sadd.s32 s8, s12;
	s6 =	sshrl.u32 s6, $0x3;
	s24 =	simm.s32 $0x4950  }
0x14: {  	s7 =	sadd.s32 s7, s1;
	s1 =	sadd.s32 s12, s1;
	s17 =	smul.u32 $0xC400, s15  }
0x15: {  	s21 =	sshrl.u32 s20, $0x3;
	s15 =	sshll.u32 s20, $0x7;
	s22 =	sshrl.u32 s9, $0x3  }
0x16: {  	s9 =	sshll.u32 s9, $0x7;
	[dreg:$0x8] =	wrdreg s26;
	s12 =	sadd.s32 s19, s2  }
0x17: {  	s20 =	simm.s32 $0x400;
	s26 =	simm.s32 $0x4;
	s13 =	smul.u32 $0xC400, s21  }
0x18: {  	s15 =	sand.u32 $0x380, s15;
	s16 =	smul.u32 $0xC400, s22;
	s9 =	sand.u32 $0x380, s9  }
0x19: {  	s21 =	simm.s32 $0xDC50;
	s22 =	simm.s32 $0xF4D0;
	s10 =	sor.u32 s10, s17  }
0x1a: {  	s17 =	sadd.s32 $0x28E00, s1;
	s1 =	simm.s32 $0x1880;
	s10 =	sshrl.u32 s10, $0x3  }
0x1b: {  	s13 =	sor.u32 s15, s13;
	s9 =	sor.u32 s9, s16;
	s15 =	sadd.s32 $0x1CA00, s7  }
0x1c: {  	s16 =	sadd.s32 $0x22C00, s7;
	s7 =	simm.s32 $0x5;
	s10 =	sadd.s32 s11, s10  }
0x1d: {  	s23 =	sshrl.u32 s13, $0x3;
	s9 =	sshrl.u32 s9, $0x3;
	s13 =	sadd.s32 s19, s3  }
0x1e: {  	s19 =	simm.s32 $0x80;
	[dreg:$0x5] =	wrdreg s10;
	s10 =	sadd.s32 s11, s23  }
0x1f: {  	s9 =	sadd.s32 s11, s9;
	s11 =	sadd.s32 s8, s6;
	[dreg:$0x6] =	wrdreg s10  }
0x20: {  	s23 =	simm.s32 $0x10D50;
	[dreg:$0x7] =	wrdreg s9;
	s9 =	sadd.s32 s8, s25  }
0x21: {  	v0 =	vimm.f32 $1.000000000e+00;
	v1 =	vimm.f32 $0.0e+00;
	s6 =	simm.s32 $0x16F50;
	s25 =	simm.s32 $0x61D0;
	[dreg:$0x9] =	wrdreg s9  }
.LBB2_1:
0x22: {  	s8 =	rddreg [dreg:$0x5]  }
0x23: {  	[tilespmem:s21], [sflag:$0x1] =	stream.strided.gather [hbm4b:s8+s19], $0x1880, s20, s19, $0x38;
	[tilespmem:$0x187D0] =	vst v63  }
0x24: {  	s10 =	rddreg [dreg:$0x6]  }
0x25: {  	[tilespmem:s22], [sflag:$0x1] =	stream.strided.gather [hbm4b:s10+s19], $0x1880, s20, s19, $0x38;
	[tilespmem:$0x187D0] =	vst v63  }
0x26: {  	s9 =	rddreg [dreg:$0x7]  }
0x27: {  	[tilespmem:s23], [sflag:$0x1] =	stream.strided.gather [hbm4b:s9+s19], $0x1880, s20, s19, $0x38;
	[tilespmem:$0x187D0] =	vst v63  }
0x28: {  	s10 =	rddreg [dreg:$0x8]  }
0x29: {  	[tilespmem:s24], [sflag:$0x2] =	stream.strided.gather [hbm4b:s10+s19], $0x1880, s20, s19, $0x38;
	[tilespmem:$0x187D0] =	vst v63  }
0x2a: {  	s9 =	rddreg [dreg:$0x9]  }
0x2b: {  	[tilespmem:s25], [sflag:$0x2] =	stream.strided.gather [hbm4b:s9+s19], $0x1880, s20, s19, $0x38;
	[tilespmem:$0x187D0] =	vst v63  }
0x2c: {  	s8 =	simm.s32 $0x0;
	s10 =	simm.s32 $0x7A50;
	s9 =	simm.s32 $0x100  }
0x2d: {  	[tilespmem:s10], [sflag:$0x2] =	stream.strided.gather [hbm4b:s11+s19], $0x1880, s20, s19, $0x38;
	[tilespmem:$0x187D0] =	vst v63  }
.LBB2_2:
0x2e: {  	p1 =	sne.s32 s9, $0x6100;
	[tilespmem:s8+$0xC400] =	vst v0;
	s10 =	smov.u32 s9;
	s9 =	sadd.s32 $0x100, s9  }
.Ltmp0:
0x2f: {  	[tilespmem:s8+$0xC3F0] =	vst v0;
	(pc) =	sbr.rel @p1 .LBB2_2-.Ltmp0, $3  }
0x30: {  	[tilespmem:s8+$0xC3D0] =	vst v0  }
0x31: {  	[tilespmem:s8+$0xC3E0] =	vst v0;
	_ =	sdelay $0x1  }
0x32: {  	s8 =	sshra.s32 s10, $0x2  }
0x33: {  	[tilespmem:s8+$0xC400] =	vst v0  }
0x34: {  	[tilespmem:s8+$0xC3F0] =	vst v0  }
0x35: {  	[tilespmem:s8+$0xC3D0] =	vst v0  }
0x36: {  	[tilespmem:s8+$0xC3E0] =	vst v0  }
0x37: {  	_ =	swait.ge [sflag:s28], $0x1880  }
0x38: {  	[sflag:s28] =	ssyncset.done $0x0  }
0x39: {  	[sflag:s28] =	ssyncadd.s32 $0xFFFFE780  }
0x3a: {  	_ =	swait.ge [sflag:s28], $0x1880  }
0x3b: {  	[sflag:s28] =	ssyncset.done $0x0  }
0x3c: {  	[sflag:s28] =	ssyncadd.s32 $0xFFFFE780  }
0x3d: {  	_ =	swait.ge [sflag:s28], $0x1880  }
0x3e: {  	[sflag:s28] =	ssyncset.done $0x0  }
0x3f: {  	s8 =	simm.s32 $0x0;
	[sflag:s28] =	ssyncadd.s32 $0xFFFFE780  }
0x40: {  	v2 =	vld [tilespmem:s8+$0x4980]  }
0x41: {  	v3 =	vld [tilespmem:s8+$0x6200]  }
0x42: {  	v8 =	vld [tilespmem:s8+$0x4950]  }
0x43: {  	v5 =	vld [tilespmem:s8+$0x7A80]  }
0x44: {  	v9 =	vld [tilespmem:s8+$0x61D0]  }
0x45: {  	v10 =	vld [tilespmem:s8+$0x4960]  }
0x46: {  	v11 =	vld [tilespmem:s8+$0x61E0]  }
0x47: {  	[tilespmem:s8+$0xAB50] =	vst v1;
	v4 =	vld [tilespmem:s8+$0x61F0];
	v3 =	vadd.f32 v3, v2  }
0x48: {  	[tilespmem:s8+$0xAB60] =	vst v1;
	v2 =	vld [tilespmem:s8+$0x4970]  }
0x49: {  	[tilespmem:s8+$0xAB70] =	vst v1;
	v7 =	vld [tilespmem:s8+$0x7A50];
	v3 =	vadd.f32 v5, v3  }
0x4a: {  	[tilespmem:s8+$0xAB80] =	vst v1;
	v5 =	vld [tilespmem:s8+$0x7A60]  }
0x4b: {  	s9 =	simm.s32 $0x40;
	v6 =	vld [tilespmem:s8+$0x7A70];
	[tilespmem:s8+$0x9300] =	vst v3  }
0x4c: {  	s10 =	simm.s32 $0x200;
	v8 =	vadd.f32 v9, v8;
	v9 =	vadd.f32 v11, v10;
	[tilespmem:s9+$0xAB50] =	vst v1;
	v3 =	vld [tilespmem:s9+$0x4980]  }
.LBB2_4:
0x4d: {  	p1 =	sne.s32 s10, $0x6000;
	[tilespmem:s9+$0xAB60] =	vst v1;
	v10 =	vld [tilespmem:s9+$0x6200];
	v2 =	vadd.f32 v4, v2  }
0x4e: {  	v11 =	vld [tilespmem:s9+$0x4950];
	[tilespmem:s9+$0xAB70] =	vst v1;
	v4 =	vadd.f32 v7, v8  }
0x4f: {  	v7 =	vld [tilespmem:s9+$0x7A80];
	[tilespmem:s9+$0xAB80] =	vst v1;
	v5 =	vadd.f32 v5, v9  }
0x50: {  	v8 =	vld [tilespmem:s9+$0x61D0];
	[tilespmem:s8+$0x92D0] =	vst v4;
	v2 =	vadd.f32 v6, v2  }
0x51: {  	v6 =	vld [tilespmem:s9+$0x4960];
	[tilespmem:s8+$0x92E0] =	vst v5  }
0x52: {  	v9 =	vld [tilespmem:s9+$0x61E0];
	v3 =	vadd.f32 v10, v3;
	[tilespmem:s8+$0x92F0] =	vst v2;
	s8 =	smov.u32 s9  }
0x53: {  	v2 =	vld [tilespmem:s8+$0x4970]  }
.Ltmp1:
0x54: {  	v4 =	vld [tilespmem:s8+$0x61F0];
	v3 =	vadd.f32 v7, v3;
	(pc) =	sbr.rel @p1 .LBB2_4-.Ltmp1, $4  }
0x55: {  	v8 =	vadd.f32 v8, v11;
	v7 =	vld [tilespmem:s8+$0x7A50]  }
0x56: {  	v5 =	vld [tilespmem:s8+$0x7A60];
	[tilespmem:s8+$0x9300] =	vst v3  }
0x57: {  	s9 =	sshra.s32 s10, $0x2;
	v9 =	vadd.f32 v9, v6;
	v6 =	vld [tilespmem:s8+$0x7A70]  }
0x58: {  	s10 =	sadd.s32 $0x100, s10;
	[tilespmem:s9+$0xAB50] =	vst v1;
	v3 =	vld [tilespmem:s9+$0x4980]  }
0x59: {  	[tilespmem:s9+$0xAB60] =	vst v1;
	v10 =	vld [tilespmem:s9+$0x6200]  }
0x5a: {  	v11 =	vld [tilespmem:s9+$0x4950];
	[tilespmem:s9+$0xAB70] =	vst v1;
	v2 =	vadd.f32 v4, v2;
	v7 =	vadd.f32 v7, v8  }
0x5b: {  	v12 =	vld [tilespmem:s9+$0x7A80];
	[tilespmem:s9+$0xAB80] =	vst v1;
	v4 =	vadd.f32 v5, v9  }
0x5c: {  	v8 =	vld [tilespmem:s9+$0x61D0];
	[tilespmem:s8+$0x92D0] =	vst v7;
	v2 =	vadd.f32 v6, v2  }
0x5d: {  	v5 =	vld [tilespmem:s9+$0x4960];
	[tilespmem:s8+$0x92E0] =	vst v4  }
0x5e: {  	v4 =	vld [tilespmem:s9+$0x61E0];
	[tilespmem:s8+$0x92F0] =	vst v2  }
0x5f: {  	v2 =	vadd.f32 v10, v3;
	v3 =	vld [tilespmem:s9+$0x4970]  }
0x60: {  	v6 =	vld [tilespmem:s9+$0x61F0]  }
0x61: {  	v7 =	vld [tilespmem:s9+$0x7A50];
	v2 =	vadd.f32 v12, v2  }
0x62: {  	v9 =	vld [tilespmem:s9+$0x7A60]  }
0x63: {  	[tilespmem:s9+$0x9300] =	vst v2;
	v2 =	vld [tilespmem:s9+$0x7A70]  }
0x64: {  	v8 =	vadd.f32 v8, v11  }
0x65: {  	v4 =	vadd.f32 v4, v5  }
0x66: {  	v3 =	vadd.f32 v6, v3;
	v5 =	vadd.f32 v7, v8  }
0x67: {  	v4 =	vadd.f32 v9, v4  }
0x68: {  	[tilespmem:s9+$0x92D0] =	vst v5;
	v2 =	vadd.f32 v2, v3  }
0x69: {  	[tilespmem:s9+$0x92E0] =	vst v4  }
0x6a: {  	[tilespmem:s9+$0x92F0] =	vst v2  }
0x6b: {  	v2 =	vld [tilespmem:$0x6190]  }
0x6c: {  	v3 =	vld [tilespmem:$0x7A10]  }
0x6d: {  	v4 =	vld [tilespmem:$0x9290]  }
0x6e: {  	v5 =	vld [tilespmem:$0x61A0]  }
0x6f: {  	v6 =	vld [tilespmem:$0x7A20]  }
0x70: {  	v7 =	vld [tilespmem:$0x92A0]  }
0x71: {  	v8 =	vld [tilespmem:$0x61B0]  }
0x72: {  	v9 =	vld [tilespmem:$0x7A30]  }
0x73: {  	v2 =	vadd.f32 v3, v2  }
0x74: {  	v3 =	vld [tilespmem:$0x92B0]  }
0x75: {  	v2 =	vadd.f32 v4, v2;
	v4 =	vadd.f32 v6, v5  }
0x76: {  	[tilespmem:$0xC390] =	vst v1  }
0x77: {  	[tilespmem:$0xAB10] =	vst v2;
	v2 =	vadd.f32 v7, v4;
	v4 =	vadd.f32 v9, v8  }
0x78: {  	[tilespmem:$0xC3A0] =	vst v1  }
0x79: {  	[tilespmem:$0xAB20] =	vst v2;
	v2 =	vadd.f32 v3, v4  }
0x7a: {  	[tilespmem:$0xC3B0] =	vst v1  }
0x7b: {  	s9 =	simm.s32 $0x92D0;
	[tilespmem:$0xAB30] =	vst v2  }
0x7c: {  	[spmem:s12] =	stream.linear.scatter [tilespmem:s9], [sflag:$0x2], $0x1870, $0x38;
	[tilespmem:$0x187D0] =	vst v63  }
0x7d: {  	_ = 	snop  }
0x7e: {  	[spmem:s13] =	stream.linear.scatter [tilespmem:s30], [sflag:$0x3], $0x1870, $0x38;
	[tilespmem:$0x187D0] =	vst v63  }
0x7f: {  	_ = 	snop  }
0x80: {  	[spmem:s14] =	stream.linear.scatter [tilespmem:s30], [sflag:$0x3], $0x1870, $0x38;
	[tilespmem:$0x187D0] =	vst v63  }
0x81: {  	_ =	swait.ge [sflag:s28], $0x1870  }
0x82: {  	[sflag:s28] =	ssyncset.done $0x0  }
0x83: {  	[sflag:s28] =	ssyncadd.s32 $0xFFFFE790  }
0x84: {  	_ =	swait.ge [sflag:s31], $0x1880  }
0x85: {  	[sflag:s31] =	ssyncset.done $0x0  }
0x86: {  	[sflag:s31] =	ssyncadd.s32 $0xFFFFE780  }
0x87: {  	_ =	swait.ge [sflag:s31], $0x1880  }
0x88: {  	[sflag:s31] =	ssyncset.done $0x0  }
0x89: {  	[sflag:s31] =	ssyncadd.s32 $0xFFFFE780  }
0x8a: {  	_ =	swait.ge [sflag:s31], $0x1880  }
0x8b: {  	[sflag:s31] =	ssyncset.done $0x0  }
0x8c: {  	[sflag:s31] =	ssyncadd.s32 $0xFFFFE780  }
0x8d: {  	_ =	swait.ge [sflag:s0], $0x1870  }
0x8e: {  	[sflag:s0] =	ssyncset.done $0x0  }
0x8f: {  	[sflag:s0] =	ssyncadd.s32 $0xFFFFE790  }
0x90: {  	_ =	swait.ge [sflag:s0], $0x1870  }
0x91: {  	[sflag:s0] =	ssyncset.done $0x0  }
0x92: {  	[sflag:s0] =	ssyncadd.s32 $0xFFFFE790  }
0x93: {  	s10 =	simm.s32 $0x125D0;
	[bflag:$0x0] =	sbarrier.arrive $0xFFFF  }
0x94: {  	[tilespmem:s10], [sflag:$0x4] =	stream.indirect.gather [spmem:s2], $0x1, s21, s1, $0xb8;
	[tilespmem:$0x187D0] =	vst v63  }
0x95: {  	s9 =	simm.s32 $0x13E50  }
0x96: {  	[tilespmem:s9], [sflag:$0x4] =	stream.indirect.gather [spmem:s2], $0x1, s22, s1, $0xb8;
	[tilespmem:$0x187D0] =	vst v63  }
0x97: {  	s10 =	simm.s32 $0x156D0  }
0x98: {  	[tilespmem:s10], [sflag:$0x4] =	stream.indirect.gather [spmem:s2], $0x1, s23, s1, $0xb8;
	[tilespmem:$0x187D0] =	vst v63  }
0x99: {  	_ = 	snop  }
0x9a: {  	[spmem:s4] =	stream.indirect.scatter.add.f32 [tilespmem:s29], [sflag:$0x5], $0x1, s21, s1, $0xb8;
	[tilespmem:$0x187D0] =	vst v63  }
0x9b: {  	_ = 	snop  }
0x9c: {  	[spmem:s4] =	stream.indirect.scatter.add.f32 [tilespmem:s29], [sflag:$0x5], $0x1, s22, s1, $0xb8;
	[tilespmem:$0x187D0] =	vst v63  }
0x9d: {  	_ = 	snop  }
0x9e: {  	[spmem:s4] =	stream.indirect.scatter.add.f32 [tilespmem:s29], [sflag:$0x5], $0x1, s23, s1, $0xb8;
	[tilespmem:$0x187D0] =	vst v63  }
0x9f: {  	_ =	swait.ge [sflag:s26], $0x1880  }
0xa0: {  	[sflag:s26] =	ssyncset.done $0x0  }
0xa1: {  	[sflag:s26] =	ssyncadd.s32 $0xFFFFE780  }
0xa2: {  	_ =	swait.ge [sflag:s26], $0x1880  }
0xa3: {  	[sflag:s26] =	ssyncset.done $0x0  }
0xa4: {  	[sflag:s26] =	ssyncadd.s32 $0xFFFFE780  }
0xa5: {  	_ =	swait.ge [sflag:s26], $0x1880  }
0xa6: {  	[sflag:s26] =	ssyncset.done $0x0  }
0xa7: {  	s8 =	simm.s32 $0x0;
	[sflag:s26] =	ssyncadd.s32 $0xFFFFE780  }
0xa8: {  	v2 =	vld [tilespmem:s8+$0x12600]  }
0xa9: {  	v3 =	vld [tilespmem:s8+$0x13E80]  }
0xaa: {  	v8 =	vld [tilespmem:s8+$0x125D0]  }
0xab: {  	v5 =	vld [tilespmem:s8+$0x15700]  }
0xac: {  	v9 =	vld [tilespmem:s8+$0x13E50]  }
0xad: {  	v10 =	vld [tilespmem:s8+$0x125E0]  }
0xae: {  	v11 =	vld [tilespmem:s8+$0x13E60]  }
0xaf: {  	v4 =	vld [tilespmem:s8+$0x13E70];
	v3 =	vadd.f32 v3, v2  }
0xb0: {  	v2 =	vld [tilespmem:s8+$0x125F0]  }
0xb1: {  	v7 =	vld [tilespmem:s8+$0x156D0];
	v3 =	vadd.f32 v5, v3  }
0xb2: {  	v5 =	vld [tilespmem:s8+$0x156E0]  }
0xb3: {  	s9 =	simm.s32 $0x40;
	v6 =	vld [tilespmem:s8+$0x156F0];
	[tilespmem:s8+$0x16F80] =	vst v3  }
0xb4: {  	s10 =	simm.s32 $0x200;
	v8 =	vadd.f32 v9, v8;
	v9 =	vadd.f32 v11, v10;
	v3 =	vld [tilespmem:s9+$0x12600]  }
.LBB2_6:
0xb5: {  	p1 =	sne.s32 s10, $0x6100;
	v10 =	vld [tilespmem:s9+$0x13E80];
	v2 =	vadd.f32 v4, v2  }
0xb6: {  	v11 =	vld [tilespmem:s9+$0x125D0];
	v4 =	vadd.f32 v7, v8  }
0xb7: {  	v7 =	vld [tilespmem:s9+$0x15700];
	v5 =	vadd.f32 v5, v9  }
0xb8: {  	v8 =	vld [tilespmem:s9+$0x13E50];
	[tilespmem:s8+$0x16F50] =	vst v4;
	v2 =	vadd.f32 v6, v2  }
0xb9: {  	v6 =	vld [tilespmem:s9+$0x125E0];
	[tilespmem:s8+$0x16F60] =	vst v5  }
0xba: {  	v9 =	vld [tilespmem:s9+$0x13E60];
	v3 =	vadd.f32 v10, v3;
	[tilespmem:s8+$0x16F70] =	vst v2;
	s8 =	smov.u32 s9  }
0xbb: {  	v2 =	vld [tilespmem:s8+$0x125F0]  }
.Ltmp2:
0xbc: {  	v4 =	vld [tilespmem:s8+$0x13E70];
	v3 =	vadd.f32 v7, v3;
	(pc) =	sbr.rel @p1 .LBB2_6-.Ltmp2, $4  }
0xbd: {  	v8 =	vadd.f32 v8, v11;
	v7 =	vld [tilespmem:s8+$0x156D0]  }
0xbe: {  	v5 =	vld [tilespmem:s8+$0x156E0];
	[tilespmem:s8+$0x16F80] =	vst v3  }
0xbf: {  	s9 =	sshra.s32 s10, $0x2;
	v9 =	vadd.f32 v9, v6;
	v6 =	vld [tilespmem:s8+$0x156F0]  }
0xc0: {  	s10 =	sadd.s32 $0x100, s10;
	v3 =	vld [tilespmem:s9+$0x12600]  }
0xc1: {  	v10 =	vld [tilespmem:s9+$0x13E80]  }
0xc2: {  	v11 =	vld [tilespmem:s9+$0x125D0];
	v2 =	vadd.f32 v4, v2;
	v7 =	vadd.f32 v7, v8  }
0xc3: {  	v57 =	vld [tilespmem:s9+$0x15700];
	v58 =	vadd.f32 v5, v9  }
0xc4: {  	v12 =	vld [tilespmem:s9+$0x13E50];
	[tilespmem:s8+$0x16F50] =	vst v7;
	v2 =	vadd.f32 v6, v2  }
0xc5: {  	v59 =	vld [tilespmem:s9+$0x125E0];
	[tilespmem:s8+$0x16F60] =	vst v58  }
0xc6: {  	v4 =	vld [tilespmem:s9+$0x13E60];
	[tilespmem:s8+$0x16F70] =	vst v2  }
0xc7: {  	v2 =	vadd.f32 v10, v3;
	v3 =	vld [tilespmem:s9+$0x125F0]  }
0xc8: {  	v60 =	vld [tilespmem:s9+$0x13E70]  }
0xc9: {  	v7 =	vld [tilespmem:s9+$0x156D0];
	v2 =	vadd.f32 v57, v2  }
0xca: {  	v61 =	vld [tilespmem:s9+$0x156E0]  }
0xcb: {  	[tilespmem:s9+$0x16F80] =	vst v2;
	v2 =	vld [tilespmem:s9+$0x156F0]  }
0xcc: {  	v62 =	vadd.f32 v12, v11  }
0xcd: {  	v4 =	vadd.f32 v4, v59  }
0xce: {  	v3 =	vadd.f32 v60, v3;
	v63 =	vadd.f32 v7, v62  }
0xcf: {  	v4 =	vadd.f32 v61, v4  }
0xd0: {  	[tilespmem:s9+$0x16F50] =	vst v63;
	v2 =	vadd.f32 v2, v3  }
0xd1: {  	[tilespmem:s9+$0x16F60] =	vst v4  }
0xd2: {  	[tilespmem:s9+$0x16F70] =	vst v2  }
0xd3: {  	[spmem:s3] =	stream.indirect.scatter.add.f32 [tilespmem:s6], [sflag:$0x5], $0x1, s21, s1, $0xb8;
	[tilespmem:$0x187D0] =	vst v63  }
0xd4: {  	_ = 	snop  }
0xd5: {  	[spmem:s3] =	stream.indirect.scatter.add.f32 [tilespmem:s6], [sflag:$0x5], $0x1, s22, s1, $0xb8;
	[tilespmem:$0x187D0] =	vst v63  }
0xd6: {  	_ = 	snop  }
0xd7: {  	[spmem:s3] =	stream.indirect.scatter.add.f32 [tilespmem:s6], [sflag:$0x5], $0x1, s23, s1, $0xb8;
	[tilespmem:$0x187D0] =	vst v63  }
0xd8: {  	_ =	swait.ge [sflag:s7], $0x1880  }
0xd9: {  	[sflag:s7] =	ssyncset.done $0x0  }
0xda: {  	[sflag:s7] =	ssyncadd.s32 $0xFFFFE780  }
0xdb: {  	_ =	swait.ge [sflag:s7], $0x1880  }
0xdc: {  	[sflag:s7] =	ssyncset.done $0x0  }
0xdd: {  	[sflag:s7] =	ssyncadd.s32 $0xFFFFE780  }
0xde: {  	_ =	swait.ge [sflag:s7], $0x1880  }
0xdf: {  	[sflag:s7] =	ssyncset.done $0x0  }
0xe0: {  	[sflag:s7] =	ssyncadd.s32 $0xFFFFE780  }
0xe1: {  	_ =	swait.ge [sflag:s7], $0x1880  }
0xe2: {  	[sflag:s7] =	ssyncset.done $0x0  }
0xe3: {  	[sflag:s7] =	ssyncadd.s32 $0xFFFFE780  }
0xe4: {  	_ =	swait.ge [sflag:s7], $0x1880  }
0xe5: {  	[sflag:s7] =	ssyncset.done $0x0  }
0xe6: {  	[sflag:s7] =	ssyncadd.s32 $0xFFFFE780  }
0xe7: {  	_ =	swait.ge [sflag:s7], $0x1880  }
0xe8: {  	[sflag:s7] =	ssyncset.done $0x0  }
0xe9: {  	[sflag:s7] =	ssyncadd.s32 $0xFFFFE780  }
0xea: {  	[bflag:$0x0] =	sbarrier.arrive $0xFFFF  }
0xeb: {  	[tilespmem:s24], [sflag:$0x4] =	stream.linear.gather [spmem:s13], $0x1870, $0x38;
	[tilespmem:$0x187D0] =	vst v63  }
0xec: {  	_ = 	snop  }
0xed: {  	[tilespmem:s25], [sflag:$0x4] =	stream.linear.gather [spmem:s14], $0x1870, $0x38;
	[tilespmem:$0x187D0] =	vst v63  }
0xee: {  	_ =	swait.ge [sflag:s26], $0x1870  }
0xef: {  	[sflag:s26] =	ssyncset.done $0x0  }
0xf0: {  	[sflag:s26] =	ssyncadd.s32 $0xFFFFE790  }
0xf1: {  	[hbm4b:s15+s19] =	stream.strided.scatter [tilespmem:s24], [sflag:$0x5], $0x1880, s20, s19, $0x38;
	[tilespmem:$0x187D0] =	vst v63  }
0xf2: {  	_ =	swait.ge [sflag:s26], $0x1870  }
0xf3: {  	[sflag:s26] =	ssyncset.done $0x0  }
0xf4: {  	[sflag:s26] =	ssyncadd.s32 $0xFFFFE790  }
0xf5: {  	[hbm4b:s16+s19] =	stream.strided.scatter [tilespmem:s25], [sflag:$0x5], $0x1880, s20, s19, $0x38;
	[tilespmem:$0x187D0] =	vst v63  }
0xf6: {  	_ =	swait.ge [sflag:s7], $0x1880  }
0xf7: {  	[sflag:s7] =	ssyncset.done $0x0  }
0xf8: {  	[sflag:s7] =	ssyncadd.s32 $0xFFFFE780  }
0xf9: {  	s5 =	sadd.s32 $0x1, s5;
	_ =	swait.ge [sflag:s7], $0x1880  }
0xfa: {  	s10 =	simm.s32 @!p0 $0x92D0;
	p1 =	sne.s32 s5, s18;
	[sflag:s7] =	ssyncset.done $0x0  }
0xfb: {  	s8 =	simm.s32 @!p0 $0x80;
	s9 =	simm.s32 @!p0 $0x400;
	[sflag:s7] =	ssyncadd.s32 $0xFFFFE780  }
0xfc: {  	[hbm4b:s17+s8] =	stream.strided.scatter @!p0 [tilespmem:s10], [sflag:$0x6], $0x1880, s9, s8, $0x38;
	[tilespmem:$0x187D0] =	vst v63  }
.Ltmp3:
0xfd: {  	_ = 	snop;
	(pc) =	sbr.rel @p1 .LBB2_1-.Ltmp3, $4  }
0xfe: {  	s8 =	simm.s32 @!p0 $0x6  }
0xff: {  	_ =	swait.ge @!p0 [sflag:s8], $0x1880  }
0x100: {  	[sflag:s8] =	ssyncset.done @!p0 $0x0  }
0x101: {  	[sflag:s8] =	ssyncadd.s32 @!p0 $0xFFFFE780  }
0x102: {  	_ =	sfence.sel $0x180000  }
0x103: {  	[bflag:$0x0] =	sbarrier.arrive $0xFFFF  }
0x104: {  	_ =	strace $0x90000047  }
0x105: {  	s0 =	stileid.u32;
	[bflag:$0x2] =	sbarrier.arrive $0xFFFF  }
0x106: {  	p0 =	sne.s32 s0, $0x0;
	s0 =	rddreg [dreg:$0x4]  }
0x107: {  	s0 =	sadd.s32 @!p0 $0x100000, s0  }
0x108: {  	[sflag:s0] =	ssyncadd.tile.s32 @!p0 $0x1;
	_ =	shalt  }
.Lfunc_end2:
_tile_overlayer_lowered:
.L_overlay_start_2:
0x109: {  	(tag) =	ssettag $0x2  }
0x10a: {  	s0 =	rddreg [dreg:$0x0];
	s2 =	stileid.u32  }
0x10b: {  	s1 =	rddreg [dreg:$0x1];
	p0 =	sne.s32 s2, $0x0  }
0x10c: {  	s3 =	rddreg [dreg:$0x2];
	[bflag:$0x3] =	sbarrier.arrive $0xFFFF;
	s2 =	simm.s32 @!p0 $0x1C06  }
0x10d: {  	[timem:s3], [sflag:s2] =	dma.local @!p0 [hbm:s0], s1  }
0x10e: {  	s0 =	simm.s32 @!p0 $0x6  }
0x10f: {  	_ =	swait.ge @!p0 [sflag:s0], s1  }
0x110: {  	s1 =	ssub.s32 @!p0 $0x0, s1;
	[sflag:s0] =	ssyncset.done @!p0 $0x0  }
0x111: {  	[sflag:s0] =	ssyncadd.s32 @!p0 s1  }
0x112: {  	[bflag:$0x3] =	sbarrier.arrive $0xFFFF  }
0x113: {  	_ =	shalt  }

</sc_bundles>
